<compile_context>
chip_gen: v7x
topology: tpu7x:2x2x1
jax: 0.10.2.dev20260603
libtpu: 0.0.44.dev20260713+nightly
codegen_flags: <defaults>
</compile_context>

<pallas_src>
import functools

import jax
import jax.numpy as jnp
from jax import lax
from jax.experimental import pallas as pl
from jax.experimental.pallas import tpu as pltpu
from jax.experimental.pallas import tpu_sc as plsc

PAD_ID = 0
D = 64
DP = 128
NC, NS = 2, 16
NW = NC * NS
NBUF = 2
NIDX = 4


@functools.partial(jax.jit, static_argnames=("b", "l"))
def _gather_both(lab_idx, pos_idx, lab_tab_pad, pos_tab_pad, b, l):
    bpw = b // NW
    c0 = 96
    c1 = l - c0
    cmax = max(c0, c1)
    lpad = 2 * 128
    mesh = plsc.VectorSubcoreMesh(core_axis_name="c", subcore_axis_name="s")

    @functools.partial(
        pl.kernel,
        mesh=mesh,
        out_type=(
            jax.ShapeDtypeStruct((b * l, D), jnp.float32),
            jax.ShapeDtypeStruct((b * l, D), jnp.float32),
        ),
        scratch_types=[
            pltpu.VMEM((NIDX * lpad,), jnp.int32),
            pltpu.VMEM((NIDX * lpad,), jnp.int32),
            pltpu.VMEM((NBUF, cmax, DP), jnp.float32),
            pltpu.VMEM((NBUF, cmax, DP), jnp.float32),
            pltpu.VMEM((NBUF, cmax, D), jnp.float32),
            pltpu.VMEM((NBUF, cmax, D), jnp.float32),
            pltpu.VMEM_SHARED((1000, DP), jnp.float32),
            pltpu.SemaphoreType.DMA,
            pltpu.SemaphoreType.DMA,
            pltpu.SemaphoreType.DMA,
            pltpu.SemaphoreType.DMA,
            pltpu.SemaphoreType.DMA,
            pltpu.SemaphoreType.DMA,
        ],
    )
    def body(lab_idx_hbm, pos_idx_hbm, lab_tab_hbm, pos_tab_hbm,
             pos_out_hbm, lab_out_hbm,
             lab_idx_v, pos_idx_v, lab_rows, pos_rows, lab_pk, pos_pk,
             pos_shared,
             sem_il, sem_ip, sem_gl, sem_gp, sem_wl, sem_wp):
        sid = lax.axis_index("s")
        wid = lax.axis_index("c") * NS + sid
        base = wid * bpw
        nt = 2 * bpw

        @pl.when(sid == 0)
        def _():
            pltpu.sync_copy(pos_tab_hbm, pos_shared)

        plsc.subcore_barrier()

        def clen(t):
            return lax.select(lax.rem(t, 2) == 0, c0, c1)

        def idx_copy(i):
            q0 = pl.multiple_of(lax.rem(i, NIDX) * lpad, lpad)
            off = (base + i) * l
            return (
                pltpu.make_async_copy(
                    lab_idx_hbm.at[pl.ds(off, l)],
                    lab_idx_v.at[pl.ds(q0, l)], sem_il),
                pltpu.make_async_copy(
                    pos_idx_hbm.at[pl.ds(off, l)],
                    pos_idx_v.at[pl.ds(q0, l)], sem_ip),
            )

        def gather(t, c):
            i = lax.div(t, 2)
            h = lax.rem(t, 2)
            q0 = pl.multiple_of(lax.rem(i, NIDX) * lpad, lpad) + h * c0
            r = lax.rem(t, NBUF)
            return (
                pltpu.make_async_copy(
                    lab_tab_hbm.at[lab_idx_v.at[pl.ds(q0, c)]],
                    lab_rows.at[r, pl.ds(0, c)], sem_gl),
                pltpu.make_async_copy(
                    pos_shared.at[pos_idx_v.at[pl.ds(q0, c)]],
                    pos_rows.at[r, pl.ds(0, c)], sem_gp),
            )

        def repack(t, c):
            r = lax.rem(t, NBUF)

            def row(j, carry):
                for k in range(4):
                    lab_pk[r, j, pl.ds(16 * k, 16)] = (
                        lab_rows[r, j, pl.ds(16 * k, 16)])
                    pos_pk[r, j, pl.ds(16 * k, 16)] = (
                        pos_rows[r, j, pl.ds(16 * k, 16)])
                return carry

            lax.fori_loop(0, c, row, 0)

        def writeback(t, c):
            i = lax.div(t, 2)
            h = lax.rem(t, 2)
            r = lax.rem(t, NBUF)
            off = (base + i) * l + h * c0
            return (
                pltpu.make_async_copy(
                    lab_pk.at[r, pl.ds(0, c)],
                    lab_out_hbm.at[pl.ds(off, c)], sem_wl),
                pltpu.make_async_copy(
                    pos_pk.at[r, pl.ds(0, c)],
                    pos_out_hbm.at[pl.ds(off, c)], sem_wp),
            )

        for i in range(NBUF):
            for cc in idx_copy(i):
                cc.start()

        def run_gather(t):
            @pl.when(lax.rem(t, 2) == 0)
            def _():
                for cc in gather(t, c0):
                    cc.start()

            @pl.when(lax.rem(t, 2) == 1)
            def _():
                for cc in gather(t, c1):
                    cc.start()

        def wait_gather(t):
            @pl.when(lax.rem(t, 2) == 0)
            def _():
                for cc in gather(t, c0):
                    cc.wait()

            @pl.when(lax.rem(t, 2) == 1)
            def _():
                for cc in gather(t, c1):
                    cc.wait()

        def run_repack(t):
            @pl.when(lax.rem(t, 2) == 0)
            def _():
                repack(t, c0)

            @pl.when(lax.rem(t, 2) == 1)
            def _():
                repack(t, c1)

        def run_writeback(t):
            @pl.when(lax.rem(t, 2) == 0)
            def _():
                for cc in writeback(t, c0):
                    cc.start()

            @pl.when(lax.rem(t, 2) == 1)
            def _():
                for cc in writeback(t, c1):
                    cc.start()

        def wait_writeback(t):
            @pl.when(lax.rem(t, 2) == 0)
            def _():
                for cc in writeback(t, c0):
                    cc.wait()

            @pl.when(lax.rem(t, 2) == 1)
            def _():
                for cc in writeback(t, c1):
                    cc.wait()

        def step(t, carry):
            i = lax.div(t, 2)

            @pl.when(lax.rem(t, 2) == 0)
            def _():
                for cc in idx_copy(i):
                    cc.wait()

            @pl.when(t >= NBUF)
            def _():
                wait_writeback(t - NBUF)

            run_gather(t)

            @pl.when((lax.rem(t, 2) == 0) & (i + NBUF < bpw))
            def _():
                for cc in idx_copy(i + NBUF):
                    cc.start()

            @pl.when(t >= 1)
            def _():
                wait_gather(t - 1)
                run_repack(t - 1)
                run_writeback(t - 1)

            return carry

        lax.fori_loop(0, nt, step, 0)
        wait_gather(nt - 1)
        run_repack(nt - 1)
        run_writeback(nt - 1)
        for t in range(nt - NBUF, nt):
            wait_writeback(t)

    return body(lab_idx, pos_idx, lab_tab_pad, pos_tab_pad)


def kernel(label_ids, pos_ids, label_table, pos_table):
    b, l = label_ids.shape
    pos_table = pos_table.at[PAD_ID].set(0.0)
    lab_tab_pad = jnp.pad(label_table, ((0, 0), (0, DP - D)))
    pos_tab_pad = jnp.pad(pos_table, ((0, 0), (0, DP - D)))
    lab_idx = label_ids.reshape(-1).astype(jnp.int32)
    pos_idx = pos_ids.reshape(-1).astype(jnp.int32)
    pos_out, lab_out = _gather_both(
        lab_idx, pos_idx, lab_tab_pad, pos_tab_pad, b, l)
    return pos_out.reshape(b, l, D), lab_out.reshape(b, l, D)

# --- scband reference (transcript-rebuilt; emitter-appended) ---
"""Pipeline reference for scband-embedding-layer-13348758356162 (READ-ONLY COPY).

The authoritative reference and input builder live on the scoring server;
editing this copy changes nothing except your own understanding.
"""

import jax, jax.numpy as jnp
import numpy as np

LABEL_VOCAB = 100000
POS_VOCAB = 1000
LABEL_DIM = 64
POS_DIM = 64
PAD_ID = 0
B, L = 4096, 200

def setup_inputs(seed: int = 0) -> dict:
    key = jax.random.key(seed)
    k1, k2, k3, k4 = jax.random.split(key, 4)
    label_ids = jax.random.randint(k1, (B, L), 0, LABEL_VOCAB, dtype=jnp.int64 if jax.config.jax_enable_x64 else jnp.int32)
    pos_ids = jax.random.randint(k2, (B, L), 0, POS_VOCAB, dtype=jnp.int64 if jax.config.jax_enable_x64 else jnp.int32)
    label_table = jax.random.normal(k3, (LABEL_VOCAB, LABEL_DIM), dtype=jnp.float32) * 0.02
    pos_table = jax.random.normal(k4, (POS_VOCAB, POS_DIM), dtype=jnp.float32) * 0.02
    # padding_idx row is zero-initialized in torch nn.Embedding
    pos_table = pos_table.at[PAD_ID].set(0.0)
    return {"label_ids": label_ids, "pos_ids": pos_ids, "label_table": label_table, "pos_table": pos_table}

def reference(label_ids, pos_ids, label_table, pos_table):
    # pos_emb with padding_idx: row PAD_ID is pinned to zero
    pos_table_eff = pos_table.at[PAD_ID].set(0.0)
    pos_embs = jnp.take(pos_table_eff, pos_ids, axis=0)
    label_embs = jnp.take(label_table, label_ids, axis=0)
    return (pos_embs, label_embs)

if __name__ == "__main__":
    import jax
    _d = setup_inputs()
    print(jax.jit(kernel)(*tuple(_d.values())))

</pallas_src>

<mosaic_0001>
#map = affine_map<(d0, d1) -> (0)>
#map1 = affine_map<(d0, d1) -> (0, 0)>
module attributes {stable_mosaic.version = 14 : i64} {
  func.func @body(%arg0: i32, %arg1: i32, %arg2: memref<819200xi32, #tpu.memory_space<hbm>>, %arg3: memref<819200xi32, #tpu.memory_space<hbm>>, %arg4: memref<100000x128xf32, #tpu.memory_space<hbm>>, %arg5: memref<1000x128xf32, #tpu.memory_space<hbm>>, %arg6: memref<819200x64xf32, #tpu.memory_space<hbm>>, %arg7: memref<819200x64xf32, #tpu.memory_space<hbm>>, %arg8: memref<1024xi32, #tpu.memory_space<vmem>>, %arg9: memref<1024xi32, #tpu.memory_space<vmem>>, %arg10: memref<2x104x128xf32, #tpu.memory_space<vmem>>, %arg11: memref<2x104x128xf32, #tpu.memory_space<vmem>>, %arg12: memref<2x104x64xf32, #tpu.memory_space<vmem>>, %arg13: memref<2x104x64xf32, #tpu.memory_space<vmem>>, %arg14: memref<1000x128xf32, #tpu.memory_space<vmem_shared>>, %arg15: memref<!tpu.dma_semaphore, #tpu.memory_space<semaphore_mem>>, %arg16: memref<!tpu.dma_semaphore, #tpu.memory_space<semaphore_mem>>, %arg17: memref<!tpu.dma_semaphore, #tpu.memory_space<semaphore_mem>>, %arg18: memref<!tpu.dma_semaphore, #tpu.memory_space<semaphore_mem>>, %arg19: memref<!tpu.dma_semaphore, #tpu.memory_space<semaphore_mem>>, %arg20: memref<!tpu.dma_semaphore, #tpu.memory_space<semaphore_mem>>) attributes {dimension_semantics = [#tpu.dimension_semantics<core_parallel>, #tpu.dimension_semantics<subcore_parallel>], iteration_bounds = array<i64: 2, 16>, scalar_prefetch = 0 : i64, scratch_operands = 13 : i64, tpu.core_type = #tpu.core_type<sc_vector_subcore>, window_params = [{transform_indices = #map}, {transform_indices = #map}, {transform_indices = #map1}, {transform_indices = #map1}, {transform_indices = #map1}, {transform_indices = #map1}]} {
    %mul3A = arith.constant 16 : i32
    %mul3A_0 = arith.muli %arg0, %mul3A : i32
    %add3A = arith.addi %mul3A_0, %arg1 : i32
    %mul3A_1 = arith.constant 128 : i32
    %mul3A_2 = arith.muli %add3A, %mul3A_1 : i32
    %eq3A = arith.constant 0 : i32
    %eq3A_3 = arith.cmpi eq, %arg1, %eq3A : i32
    %convert_element_type3A = arith.extui %eq3A_3 : i1 to i32
    %cond3A = arith.constant 0 : i32
    %cond3A_4 = arith.cmpi ne, %convert_element_type3A, %cond3A : i32
    scf.if %cond3A_4 {
      "tpu.region"() ({
        %run_scoped3A = tpu.sem_alloc : memref<!tpu.dma_semaphore, #tpu.memory_space<semaphore_mem>>
        tpu.enqueue_dma source(%arg5 : memref<1000x128xf32, #tpu.memory_space<hbm>>) target(%arg14 : memref<1000x128xf32, #tpu.memory_space<vmem_shared>>) target_semaphore(%run_scoped3A : memref<!tpu.dma_semaphore, #tpu.memory_space<semaphore_mem>>)
        tpu.wait_dma2 semaphore(%run_scoped3A : memref<!tpu.dma_semaphore, #tpu.memory_space<semaphore_mem>>) src(%arg5 : memref<1000x128xf32, #tpu.memory_space<hbm>>) dst(%arg14 : memref<1000x128xf32, #tpu.memory_space<vmem_shared>>)
        tpu.yield
      }) : () -> ()
    } else {
    }
    %barrier3A = arith.constant 0 : index
    tpu.barrier barrier_id(%barrier3A)
    %rem3A = arith.constant 0 : i32
    %rem3A_5 = arith.constant 4 : i32
    %rem3A_6 = arith.remsi %rem3A, %rem3A_5 : i32
    %mul3A_7 = arith.constant 256 : i32
    %mul3A_8 = arith.muli %rem3A_6, %mul3A_7 : i32
    %multiple_of3A = tpu.assume_multiple %mul3A_8, 256 : i32
    %add3A_9 = arith.constant 0 : i32
    %add3A_10 = arith.addi %mul3A_2, %add3A_9 : i32
    %mul3A_11 = arith.constant 200 : i32
    %mul3A_12 = arith.muli %add3A_10, %mul3A_11 : i32
    %dma_start3A = tpu.memref_slice %arg8[%multiple_of3A] : memref<1024xi32, #tpu.memory_space<vmem>> -> memref<200xi32, #tpu.memory_space<vmem>>
    %dma_start3A_13 = tpu.memref_slice %arg2[%mul3A_12] : memref<819200xi32, #tpu.memory_space<hbm>> -> memref<200xi32, #tpu.memory_space<hbm>>
    %dma_start3A_14 = tpu.memref_slice %arg8[%multiple_of3A] : memref<1024xi32, #tpu.memory_space<vmem>> -> memref<200xi32, #tpu.memory_space<vmem>>
    %dma_start3A_15 = tpu.memref_slice %arg2[%mul3A_12] : memref<819200xi32, #tpu.memory_space<hbm>> -> memref<200xi32, #tpu.memory_space<hbm>>
    tpu.enqueue_dma source(%dma_start3A_15 : memref<200xi32, #tpu.memory_space<hbm>>) target(%dma_start3A_14 : memref<200xi32, #tpu.memory_space<vmem>>) target_semaphore(%arg15 : memref<!tpu.dma_semaphore, #tpu.memory_space<semaphore_mem>>)
    %dma_start3A_16 = tpu.memref_slice %arg9[%multiple_of3A] : memref<1024xi32, #tpu.memory_space<vmem>> -> memref<200xi32, #tpu.memory_space<vmem>>
    %dma_start3A_17 = tpu.memref_slice %arg3[%mul3A_12] : memref<819200xi32, #tpu.memory_space<hbm>> -> memref<200xi32, #tpu.memory_space<hbm>>
    %dma_start3A_18 = tpu.memref_slice %arg9[%multiple_of3A] : memref<1024xi32, #tpu.memory_space<vmem>> -> memref<200xi32, #tpu.memory_space<vmem>>
    %dma_start3A_19 = tpu.memref_slice %arg3[%mul3A_12] : memref<819200xi32, #tpu.memory_space<hbm>> -> memref<200xi32, #tpu.memory_space<hbm>>
    tpu.enqueue_dma source(%dma_start3A_19 : memref<200xi32, #tpu.memory_space<hbm>>) target(%dma_start3A_18 : memref<200xi32, #tpu.memory_space<vmem>>) target_semaphore(%arg16 : memref<!tpu.dma_semaphore, #tpu.memory_space<semaphore_mem>>)
    %rem3A_20 = arith.constant 1 : i32
    %rem3A_21 = arith.constant 4 : i32
    %rem3A_22 = arith.remsi %rem3A_20, %rem3A_21 : i32
    %mul3A_23 = arith.constant 256 : i32
    %mul3A_24 = arith.muli %rem3A_22, %mul3A_23 : i32
    %multiple_of3A_25 = tpu.assume_multiple %mul3A_24, 256 : i32
    %add3A_26 = arith.constant 1 : i32
    %add3A_27 = arith.addi %mul3A_2, %add3A_26 : i32
    %mul3A_28 = arith.constant 200 : i32
    %mul3A_29 = arith.muli %add3A_27, %mul3A_28 : i32
    %dma_start3A_30 = tpu.memref_slice %arg8[%multiple_of3A_25] : memref<1024xi32, #tpu.memory_space<vmem>> -> memref<200xi32, #tpu.memory_space<vmem>>
    %dma_start3A_31 = tpu.memref_slice %arg2[%mul3A_29] : memref<819200xi32, #tpu.memory_space<hbm>> -> memref<200xi32, #tpu.memory_space<hbm>>
    %dma_start3A_32 = tpu.memref_slice %arg8[%multiple_of3A_25] : memref<1024xi32, #tpu.memory_space<vmem>> -> memref<200xi32, #tpu.memory_space<vmem>>
    %dma_start3A_33 = tpu.memref_slice %arg2[%mul3A_29] : memref<819200xi32, #tpu.memory_space<hbm>> -> memref<200xi32, #tpu.memory_space<hbm>>
    tpu.enqueue_dma source(%dma_start3A_33 : memref<200xi32, #tpu.memory_space<hbm>>) target(%dma_start3A_32 : memref<200xi32, #tpu.memory_space<vmem>>) target_semaphore(%arg15 : memref<!tpu.dma_semaphore, #tpu.memory_space<semaphore_mem>>)
    %dma_start3A_34 = tpu.memref_slice %arg9[%multiple_of3A_25] : memref<1024xi32, #tpu.memory_space<vmem>> -> memref<200xi32, #tpu.memory_space<vmem>>
    %dma_start3A_35 = tpu.memref_slice %arg3[%mul3A_29] : memref<819200xi32, #tpu.memory_space<hbm>> -> memref<200xi32, #tpu.memory_space<hbm>>
    %dma_start3A_36 = tpu.memref_slice %arg9[%multiple_of3A_25] : memref<1024xi32, #tpu.memory_space<vmem>> -> memref<200xi32, #tpu.memory_space<vmem>>
    %dma_start3A_37 = tpu.memref_slice %arg3[%mul3A_29] : memref<819200xi32, #tpu.memory_space<hbm>> -> memref<200xi32, #tpu.memory_space<hbm>>
    tpu.enqueue_dma source(%dma_start3A_37 : memref<200xi32, #tpu.memory_space<hbm>>) target(%dma_start3A_36 : memref<200xi32, #tpu.memory_space<vmem>>) target_semaphore(%arg16 : memref<!tpu.dma_semaphore, #tpu.memory_space<semaphore_mem>>)
    %scan3A = arith.constant 0 : i32
    %scan3A_38 = arith.constant 0 : i32
    %scan3A_39 = arith.constant 256 : i32
    %scan3A_40 = arith.addi %scan3A_38, %scan3A_39 : i32
    %scan3A_41 = arith.constant 1 : i32
    scf.for %scan3A_123 = %scan3A_38 to %scan3A_40 step %scan3A_41  : i32 {
      %div3A = arith.constant 2 : i32
      %div3A_124 = arith.divsi %scan3A_123, %div3A : i32
      %rem3A_125 = arith.constant 2 : i32
      %rem3A_126 = arith.remsi %scan3A_123, %rem3A_125 : i32
      %eq3A_127 = arith.constant 0 : i32
      %eq3A_128 = arith.cmpi eq, %rem3A_126, %eq3A_127 : i32
      %convert_element_type3A_129 = arith.extui %eq3A_128 : i1 to i32
      %cond3A_130 = arith.constant 0 : i32
      %cond3A_131 = arith.cmpi ne, %convert_element_type3A_129, %cond3A_130 : i32
      scf.if %cond3A_131 {
        %rem3A_165 = arith.constant 4 : i32
        %rem3A_166 = arith.remsi %div3A_124, %rem3A_165 : i32
        %mul3A_167 = arith.constant 256 : i32
        %mul3A_168 = arith.muli %rem3A_166, %mul3A_167 : i32
        %multiple_of3A_169 = tpu.assume_multiple %mul3A_168, 256 : i32
        %add3A_170 = arith.addi %mul3A_2, %div3A_124 : i32
        %mul3A_171 = arith.constant 200 : i32
        %mul3A_172 = arith.muli %add3A_170, %mul3A_171 : i32
        %dma_wait3A = tpu.memref_slice %arg8[%multiple_of3A_169] : memref<1024xi32, #tpu.memory_space<vmem>> -> memref<200xi32, #tpu.memory_space<vmem>>
        %dma_wait3A_173 = tpu.memref_slice %arg2[%mul3A_172] : memref<819200xi32, #tpu.memory_space<hbm>> -> memref<200xi32, #tpu.memory_space<hbm>>
        %dma_wait3A_174 = tpu.memref_slice %arg8[%multiple_of3A_169] : memref<1024xi32, #tpu.memory_space<vmem>> -> memref<200xi32, #tpu.memory_space<vmem>>
        %dma_wait3A_175 = tpu.memref_slice %arg2[%mul3A_172] : memref<819200xi32, #tpu.memory_space<hbm>> -> memref<200xi32, #tpu.memory_space<hbm>>
        tpu.wait_dma2 semaphore(%arg15 : memref<!tpu.dma_semaphore, #tpu.memory_space<semaphore_mem>>) src(%dma_wait3A_175 : memref<200xi32, #tpu.memory_space<hbm>>) dst(%dma_wait3A_174 : memref<200xi32, #tpu.memory_space<vmem>>)
        %dma_wait3A_176 = tpu.memref_slice %arg9[%multiple_of3A_169] : memref<1024xi32, #tpu.memory_space<vmem>> -> memref<200xi32, #tpu.memory_space<vmem>>
        %dma_wait3A_177 = tpu.memref_slice %arg3[%mul3A_172] : memref<819200xi32, #tpu.memory_space<hbm>> -> memref<200xi32, #tpu.memory_space<hbm>>
        %dma_wait3A_178 = tpu.memref_slice %arg9[%multiple_of3A_169] : memref<1024xi32, #tpu.memory_space<vmem>> -> memref<200xi32, #tpu.memory_space<vmem>>
        %dma_wait3A_179 = tpu.memref_slice %arg3[%mul3A_172] : memref<819200xi32, #tpu.memory_space<hbm>> -> memref<200xi32, #tpu.memory_space<hbm>>
        tpu.wait_dma2 semaphore(%arg16 : memref<!tpu.dma_semaphore, #tpu.memory_space<semaphore_mem>>) src(%dma_wait3A_179 : memref<200xi32, #tpu.memory_space<hbm>>) dst(%dma_wait3A_178 : memref<200xi32, #tpu.memory_space<vmem>>)
      } else {
      }
      %ge3A = arith.constant 2 : i32
      %ge3A_132 = arith.cmpi sge, %scan3A_123, %ge3A : i32
      %convert_element_type3A_133 = arith.extui %ge3A_132 : i1 to i32
      %cond3A_134 = arith.constant 0 : i32
      %cond3A_135 = arith.cmpi ne, %convert_element_type3A_133, %cond3A_134 : i32
      scf.if %cond3A_135 {
        %sub3A = arith.constant 2 : i32
        %sub3A_165 = arith.subi %scan3A_123, %sub3A : i32
        %rem3A_166 = arith.constant 2 : i32
        %rem3A_167 = arith.remsi %sub3A_165, %rem3A_166 : i32
        %eq3A_168 = arith.constant 0 : i32
        %eq3A_169 = arith.cmpi eq, %rem3A_167, %eq3A_168 : i32
        %convert_element_type3A_170 = arith.extui %eq3A_169 : i1 to i32
        %cond3A_171 = arith.constant 0 : i32
        %cond3A_172 = arith.cmpi ne, %convert_element_type3A_170, %cond3A_171 : i32
        scf.if %cond3A_172 {
          %div3A_180 = arith.constant 2 : i32
          %div3A_181 = arith.divsi %sub3A_165, %div3A_180 : i32
          %rem3A_182 = arith.constant 2 : i32
          %rem3A_183 = arith.remsi %sub3A_165, %rem3A_182 : i32
          %rem3A_184 = arith.constant 2 : i32
          %rem3A_185 = arith.remsi %sub3A_165, %rem3A_184 : i32
          %add3A_186 = arith.addi %mul3A_2, %div3A_181 : i32
          %mul3A_187 = arith.constant 200 : i32
          %mul3A_188 = arith.muli %add3A_186, %mul3A_187 : i32
          %mul3A_189 = arith.constant 96 : i32
          %mul3A_190 = arith.muli %rem3A_183, %mul3A_189 : i32
          %add3A_191 = arith.addi %mul3A_188, %mul3A_190 : i32
          %dma_wait3A = arith.constant 0 : i32
          %dma_wait3A_192 = arith.constant 0 : i32
          %dma_wait3A_193 = tpu.memref_slice %arg12[%rem3A_185, %dma_wait3A, %dma_wait3A_192] : memref<2x104x64xf32, #tpu.memory_space<vmem>> -> memref<1x96x64xf32, #tpu.memory_space<vmem>>
          %dma_wait3A_194 = tpu.memref_squeeze %dma_wait3A_193 : memref<1x96x64xf32, #tpu.memory_space<vmem>> -> memref<96x64xf32, #tpu.memory_space<vmem>>
          %dma_wait3A_195 = arith.constant 0 : i32
          %dma_wait3A_196 = tpu.memref_slice %arg7[%add3A_191, %dma_wait3A_195] : memref<819200x64xf32, #tpu.memory_space<hbm>> -> memref<96x64xf32, #tpu.memory_space<hbm>>
          %dma_wait3A_197 = arith.constant 0 : i32
          %dma_wait3A_198 = tpu.memref_slice %arg7[%add3A_191, %dma_wait3A_197] : memref<819200x64xf32, #tpu.memory_space<hbm>> -> memref<96x64xf32, #tpu.memory_space<hbm>>
          %dma_wait3A_199 = arith.constant 0 : i32
          %dma_wait3A_200 = arith.constant 0 : i32
          %dma_wait3A_201 = tpu.memref_slice %arg12[%rem3A_185, %dma_wait3A_199, %dma_wait3A_200] : memref<2x104x64xf32, #tpu.memory_space<vmem>> -> memref<1x96x64xf32, #tpu.memory_space<vmem>>
          %dma_wait3A_202 = tpu.memref_squeeze %dma_wait3A_201 : memref<1x96x64xf32, #tpu.memory_space<vmem>> -> memref<96x64xf32, #tpu.memory_space<vmem>>
          tpu.wait_dma2 semaphore(%arg19 : memref<!tpu.dma_semaphore, #tpu.memory_space<semaphore_mem>>) src(%dma_wait3A_202 : memref<96x64xf32, #tpu.memory_space<vmem>>) dst(%dma_wait3A_198 : memref<96x64xf32, #tpu.memory_space<hbm>>)
          %dma_wait3A_203 = arith.constant 0 : i32
          %dma_wait3A_204 = arith.constant 0 : i32
          %dma_wait3A_205 = tpu.memref_slice %arg13[%rem3A_185, %dma_wait3A_203, %dma_wait3A_204] : memref<2x104x64xf32, #tpu.memory_space<vmem>> -> memref<1x96x64xf32, #tpu.memory_space<vmem>>
          %dma_wait3A_206 = tpu.memref_squeeze %dma_wait3A_205 : memref<1x96x64xf32, #tpu.memory_space<vmem>> -> memref<96x64xf32, #tpu.memory_space<vmem>>
          %dma_wait3A_207 = arith.constant 0 : i32
          %dma_wait3A_208 = tpu.memref_slice %arg6[%add3A_191, %dma_wait3A_207] : memref<819200x64xf32, #tpu.memory_space<hbm>> -> memref<96x64xf32, #tpu.memory_space<hbm>>
          %dma_wait3A_209 = arith.constant 0 : i32
          %dma_wait3A_210 = tpu.memref_slice %arg6[%add3A_191, %dma_wait3A_209] : memref<819200x64xf32, #tpu.memory_space<hbm>> -> memref<96x64xf32, #tpu.memory_space<hbm>>
          %dma_wait3A_211 = arith.constant 0 : i32
          %dma_wait3A_212 = arith.constant 0 : i32
          %dma_wait3A_213 = tpu.memref_slice %arg13[%rem3A_185, %dma_wait3A_211, %dma_wait3A_212] : memref<2x104x64xf32, #tpu.memory_space<vmem>> -> memref<1x96x64xf32, #tpu.memory_space<vmem>>
          %dma_wait3A_214 = tpu.memref_squeeze %dma_wait3A_213 : memref<1x96x64xf32, #tpu.memory_space<vmem>> -> memref<96x64xf32, #tpu.memory_space<vmem>>
          tpu.wait_dma2 semaphore(%arg20 : memref<!tpu.dma_semaphore, #tpu.memory_space<semaphore_mem>>) src(%dma_wait3A_214 : memref<96x64xf32, #tpu.memory_space<vmem>>) dst(%dma_wait3A_210 : memref<96x64xf32, #tpu.memory_space<hbm>>)
        } else {
        }
        %rem3A_173 = arith.constant 2 : i32
        %rem3A_174 = arith.remsi %sub3A_165, %rem3A_173 : i32
        %eq3A_175 = arith.constant 1 : i32
        %eq3A_176 = arith.cmpi eq, %rem3A_174, %eq3A_175 : i32
        %convert_element_type3A_177 = arith.extui %eq3A_176 : i1 to i32
        %cond3A_178 = arith.constant 0 : i32
        %cond3A_179 = arith.cmpi ne, %convert_element_type3A_177, %cond3A_178 : i32
        scf.if %cond3A_179 {
          %div3A_180 = arith.constant 2 : i32
          %div3A_181 = arith.divsi %sub3A_165, %div3A_180 : i32
          %rem3A_182 = arith.constant 2 : i32
          %rem3A_183 = arith.remsi %sub3A_165, %rem3A_182 : i32
          %rem3A_184 = arith.constant 2 : i32
          %rem3A_185 = arith.remsi %sub3A_165, %rem3A_184 : i32
          %add3A_186 = arith.addi %mul3A_2, %div3A_181 : i32
          %mul3A_187 = arith.constant 200 : i32
          %mul3A_188 = arith.muli %add3A_186, %mul3A_187 : i32
          %mul3A_189 = arith.constant 96 : i32
          %mul3A_190 = arith.muli %rem3A_183, %mul3A_189 : i32
          %add3A_191 = arith.addi %mul3A_188, %mul3A_190 : i32
          %dma_wait3A = arith.constant 0 : i32
          %dma_wait3A_192 = arith.constant 0 : i32
          %dma_wait3A_193 = tpu.memref_slice %arg12[%rem3A_185, %dma_wait3A, %dma_wait3A_192] : memref<2x104x64xf32, #tpu.memory_space<vmem>> -> memref<1x104x64xf32, #tpu.memory_space<vmem>>
          %dma_wait3A_194 = tpu.memref_squeeze %dma_wait3A_193 : memref<1x104x64xf32, #tpu.memory_space<vmem>> -> memref<104x64xf32, #tpu.memory_space<vmem>>
          %dma_wait3A_195 = arith.constant 0 : i32
          %dma_wait3A_196 = tpu.memref_slice %arg7[%add3A_191, %dma_wait3A_195] : memref<819200x64xf32, #tpu.memory_space<hbm>> -> memref<104x64xf32, #tpu.memory_space<hbm>>
          %dma_wait3A_197 = arith.constant 0 : i32
          %dma_wait3A_198 = tpu.memref_slice %arg7[%add3A_191, %dma_wait3A_197] : memref<819200x64xf32, #tpu.memory_space<hbm>> -> memref<104x64xf32, #tpu.memory_space<hbm>>
          %dma_wait3A_199 = arith.constant 0 : i32
          %dma_wait3A_200 = arith.constant 0 : i32
          %dma_wait3A_201 = tpu.memref_slice %arg12[%rem3A_185, %dma_wait3A_199, %dma_wait3A_200] : memref<2x104x64xf32, #tpu.memory_space<vmem>> -> memref<1x104x64xf32, #tpu.memory_space<vmem>>
          %dma_wait3A_202 = tpu.memref_squeeze %dma_wait3A_201 : memref<1x104x64xf32, #tpu.memory_space<vmem>> -> memref<104x64xf32, #tpu.memory_space<vmem>>
          tpu.wait_dma2 semaphore(%arg19 : memref<!tpu.dma_semaphore, #tpu.memory_space<semaphore_mem>>) src(%dma_wait3A_202 : memref<104x64xf32, #tpu.memory_space<vmem>>) dst(%dma_wait3A_198 : memref<104x64xf32, #tpu.memory_space<hbm>>)
          %dma_wait3A_203 = arith.constant 0 : i32
          %dma_wait3A_204 = arith.constant 0 : i32
          %dma_wait3A_205 = tpu.memref_slice %arg13[%rem3A_185, %dma_wait3A_203, %dma_wait3A_204] : memref<2x104x64xf32, #tpu.memory_space<vmem>> -> memref<1x104x64xf32, #tpu.memory_space<vmem>>
          %dma_wait3A_206 = tpu.memref_squeeze %dma_wait3A_205 : memref<1x104x64xf32, #tpu.memory_space<vmem>> -> memref<104x64xf32, #tpu.memory_space<vmem>>
          %dma_wait3A_207 = arith.constant 0 : i32
          %dma_wait3A_208 = tpu.memref_slice %arg6[%add3A_191, %dma_wait3A_207] : memref<819200x64xf32, #tpu.memory_space<hbm>> -> memref<104x64xf32, #tpu.memory_space<hbm>>
          %dma_wait3A_209 = arith.constant 0 : i32
          %dma_wait3A_210 = tpu.memref_slice %arg6[%add3A_191, %dma_wait3A_209] : memref<819200x64xf32, #tpu.memory_space<hbm>> -> memref<104x64xf32, #tpu.memory_space<hbm>>
          %dma_wait3A_211 = arith.constant 0 : i32
          %dma_wait3A_212 = arith.constant 0 : i32
          %dma_wait3A_213 = tpu.memref_slice %arg13[%rem3A_185, %dma_wait3A_211, %dma_wait3A_212] : memref<2x104x64xf32, #tpu.memory_space<vmem>> -> memref<1x104x64xf32, #tpu.memory_space<vmem>>
          %dma_wait3A_214 = tpu.memref_squeeze %dma_wait3A_213 : memref<1x104x64xf32, #tpu.memory_space<vmem>> -> memref<104x64xf32, #tpu.memory_space<vmem>>
          tpu.wait_dma2 semaphore(%arg20 : memref<!tpu.dma_semaphore, #tpu.memory_space<semaphore_mem>>) src(%dma_wait3A_214 : memref<104x64xf32, #tpu.memory_space<vmem>>) dst(%dma_wait3A_210 : memref<104x64xf32, #tpu.memory_space<hbm>>)
        } else {
        }
      } else {
      }
      %rem3A_136 = arith.constant 2 : i32
      %rem3A_137 = arith.remsi %scan3A_123, %rem3A_136 : i32
      %eq3A_138 = arith.constant 0 : i32
      %eq3A_139 = arith.cmpi eq, %rem3A_137, %eq3A_138 : i32
      %convert_element_type3A_140 = arith.extui %eq3A_139 : i1 to i32
      %cond3A_141 = arith.constant 0 : i32
      %cond3A_142 = arith.cmpi ne, %convert_element_type3A_140, %cond3A_141 : i32
      scf.if %cond3A_142 {
        %div3A_165 = arith.constant 2 : i32
        %div3A_166 = arith.divsi %scan3A_123, %div3A_165 : i32
        %rem3A_167 = arith.constant 2 : i32
        %rem3A_168 = arith.remsi %scan3A_123, %rem3A_167 : i32
        %rem3A_169 = arith.constant 4 : i32
        %rem3A_170 = arith.remsi %div3A_166, %rem3A_169 : i32
        %mul3A_171 = arith.constant 256 : i32
        %mul3A_172 = arith.muli %rem3A_170, %mul3A_171 : i32
        %multiple_of3A_173 = tpu.assume_multiple %mul3A_172, 256 : i32
        %mul3A_174 = arith.constant 96 : i32
        %mul3A_175 = arith.muli %rem3A_168, %mul3A_174 : i32
        %add3A_176 = arith.addi %multiple_of3A_173, %mul3A_175 : i32
        %rem3A_177 = arith.constant 2 : i32
        %rem3A_178 = arith.remsi %scan3A_123, %rem3A_177 : i32
        %dma_start3A_179 = arith.constant 0 : i32
        %dma_start3A_180 = arith.constant 0 : i32
        %dma_start3A_181 = tpu.memref_slice %arg10[%rem3A_178, %dma_start3A_179, %dma_start3A_180] : memref<2x104x128xf32, #tpu.memory_space<vmem>> -> memref<1x96x128xf32, #tpu.memory_space<vmem>>
        %dma_start3A_182 = tpu.memref_squeeze %dma_start3A_181 : memref<1x96x128xf32, #tpu.memory_space<vmem>> -> memref<96x128xf32, #tpu.memory_space<vmem>>
        %dma_start3A_183 = tpu.memref_slice %arg8[%add3A_176] : memref<1024xi32, #tpu.memory_space<vmem>> -> memref<96xi32, #tpu.memory_space<vmem>>
        %dma_start3A_184 = arith.constant 0 : i32
        %dma_start3A_185 = arith.constant 0 : i32
        %dma_start3A_186 = tpu.memref_slice %arg4[%dma_start3A_184, %dma_start3A_185] : memref<100000x128xf32, #tpu.memory_space<hbm>> -> memref<100000x128xf32, #tpu.memory_space<hbm>>
        tpu.enqueue_indirect_dma source(%dma_start3A_186 : memref<100000x128xf32, #tpu.memory_space<hbm>>) target(%dma_start3A_182 : memref<96x128xf32, #tpu.memory_space<vmem>>) offsets(%dma_start3A_183 : memref<96xi32, #tpu.memory_space<vmem>>) semaphore(%arg17 : memref<!tpu.dma_semaphore, #tpu.memory_space<semaphore_mem>>)
        %dma_start3A_187 = arith.constant 0 : i32
        %dma_start3A_188 = arith.constant 0 : i32
        %dma_start3A_189 = tpu.memref_slice %arg11[%rem3A_178, %dma_start3A_187, %dma_start3A_188] : memref<2x104x128xf32, #tpu.memory_space<vmem>> -> memref<1x96x128xf32, #tpu.memory_space<vmem>>
        %dma_start3A_190 = tpu.memref_squeeze %dma_start3A_189 : memref<1x96x128xf32, #tpu.memory_space<vmem>> -> memref<96x128xf32, #tpu.memory_space<vmem>>
        %dma_start3A_191 = tpu.memref_slice %arg9[%add3A_176] : memref<1024xi32, #tpu.memory_space<vmem>> -> memref<96xi32, #tpu.memory_space<vmem>>
        %dma_start3A_192 = arith.constant 0 : i32
        %dma_start3A_193 = arith.constant 0 : i32
        %dma_start3A_194 = tpu.memref_slice %arg14[%dma_start3A_192, %dma_start3A_193] : memref<1000x128xf32, #tpu.memory_space<vmem_shared>> -> memref<1000x128xf32, #tpu.memory_space<vmem_shared>>
        tpu.enqueue_indirect_dma source(%dma_start3A_194 : memref<1000x128xf32, #tpu.memory_space<vmem_shared>>) target(%dma_start3A_190 : memref<96x128xf32, #tpu.memory_space<vmem>>) offsets(%dma_start3A_191 : memref<96xi32, #tpu.memory_space<vmem>>) semaphore(%arg18 : memref<!tpu.dma_semaphore, #tpu.memory_space<semaphore_mem>>)
      } else {
      }
      %rem3A_143 = arith.constant 2 : i32
      %rem3A_144 = arith.remsi %scan3A_123, %rem3A_143 : i32
      %eq3A_145 = arith.constant 1 : i32
      %eq3A_146 = arith.cmpi eq, %rem3A_144, %eq3A_145 : i32
      %convert_element_type3A_147 = arith.extui %eq3A_146 : i1 to i32
      %cond3A_148 = arith.constant 0 : i32
      %cond3A_149 = arith.cmpi ne, %convert_element_type3A_147, %cond3A_148 : i32
      scf.if %cond3A_149 {
        %div3A_165 = arith.constant 2 : i32
        %div3A_166 = arith.divsi %scan3A_123, %div3A_165 : i32
        %rem3A_167 = arith.constant 2 : i32
        %rem3A_168 = arith.remsi %scan3A_123, %rem3A_167 : i32
        %rem3A_169 = arith.constant 4 : i32
        %rem3A_170 = arith.remsi %div3A_166, %rem3A_169 : i32
        %mul3A_171 = arith.constant 256 : i32
        %mul3A_172 = arith.muli %rem3A_170, %mul3A_171 : i32
        %multiple_of3A_173 = tpu.assume_multiple %mul3A_172, 256 : i32
        %mul3A_174 = arith.constant 96 : i32
        %mul3A_175 = arith.muli %rem3A_168, %mul3A_174 : i32
        %add3A_176 = arith.addi %multiple_of3A_173, %mul3A_175 : i32
        %rem3A_177 = arith.constant 2 : i32
        %rem3A_178 = arith.remsi %scan3A_123, %rem3A_177 : i32
        %dma_start3A_179 = arith.constant 0 : i32
        %dma_start3A_180 = arith.constant 0 : i32
        %dma_start3A_181 = tpu.memref_slice %arg10[%rem3A_178, %dma_start3A_179, %dma_start3A_180] : memref<2x104x128xf32, #tpu.memory_space<vmem>> -> memref<1x104x128xf32, #tpu.memory_space<vmem>>
        %dma_start3A_182 = tpu.memref_squeeze %dma_start3A_181 : memref<1x104x128xf32, #tpu.memory_space<vmem>> -> memref<104x128xf32, #tpu.memory_space<vmem>>
        %dma_start3A_183 = tpu.memref_slice %arg8[%add3A_176] : memref<1024xi32, #tpu.memory_space<vmem>> -> memref<104xi32, #tpu.memory_space<vmem>>
        %dma_start3A_184 = arith.constant 0 : i32
        %dma_start3A_185 = arith.constant 0 : i32
        %dma_start3A_186 = tpu.memref_slice %arg4[%dma_start3A_184, %dma_start3A_185] : memref<100000x128xf32, #tpu.memory_space<hbm>> -> memref<100000x128xf32, #tpu.memory_space<hbm>>
        tpu.enqueue_indirect_dma source(%dma_start3A_186 : memref<100000x128xf32, #tpu.memory_space<hbm>>) target(%dma_start3A_182 : memref<104x128xf32, #tpu.memory_space<vmem>>) offsets(%dma_start3A_183 : memref<104xi32, #tpu.memory_space<vmem>>) semaphore(%arg17 : memref<!tpu.dma_semaphore, #tpu.memory_space<semaphore_mem>>)
        %dma_start3A_187 = arith.constant 0 : i32
        %dma_start3A_188 = arith.constant 0 : i32
        %dma_start3A_189 = tpu.memref_slice %arg11[%rem3A_178, %dma_start3A_187, %dma_start3A_188] : memref<2x104x128xf32, #tpu.memory_space<vmem>> -> memref<1x104x128xf32, #tpu.memory_space<vmem>>
        %dma_start3A_190 = tpu.memref_squeeze %dma_start3A_189 : memref<1x104x128xf32, #tpu.memory_space<vmem>> -> memref<104x128xf32, #tpu.memory_space<vmem>>
        %dma_start3A_191 = tpu.memref_slice %arg9[%add3A_176] : memref<1024xi32, #tpu.memory_space<vmem>> -> memref<104xi32, #tpu.memory_space<vmem>>
        %dma_start3A_192 = arith.constant 0 : i32
        %dma_start3A_193 = arith.constant 0 : i32
        %dma_start3A_194 = tpu.memref_slice %arg14[%dma_start3A_192, %dma_start3A_193] : memref<1000x128xf32, #tpu.memory_space<vmem_shared>> -> memref<1000x128xf32, #tpu.memory_space<vmem_shared>>
        tpu.enqueue_indirect_dma source(%dma_start3A_194 : memref<1000x128xf32, #tpu.memory_space<vmem_shared>>) target(%dma_start3A_190 : memref<104x128xf32, #tpu.memory_space<vmem>>) offsets(%dma_start3A_191 : memref<104xi32, #tpu.memory_space<vmem>>) semaphore(%arg18 : memref<!tpu.dma_semaphore, #tpu.memory_space<semaphore_mem>>)
      } else {
      }
      %rem3A_150 = arith.constant 2 : i32
      %rem3A_151 = arith.remsi %scan3A_123, %rem3A_150 : i32
      %eq3A_152 = arith.constant 0 : i32
      %eq3A_153 = arith.cmpi eq, %rem3A_151, %eq3A_152 : i32
      %add3A_154 = arith.constant 2 : i32
      %add3A_155 = arith.addi %div3A_124, %add3A_154 : i32
      %lt3A = arith.constant 128 : i32
      %lt3A_156 = arith.cmpi slt, %add3A_155, %lt3A : i32
      %and3A = arith.andi %eq3A_153, %lt3A_156 : i1
      %convert_element_type3A_157 = arith.extui %and3A : i1 to i32
      %cond3A_158 = arith.constant 0 : i32
      %cond3A_159 = arith.cmpi ne, %convert_element_type3A_157, %cond3A_158 : i32
      scf.if %cond3A_159 {
        %add3A_165 = arith.constant 2 : i32
        %add3A_166 = arith.addi %div3A_124, %add3A_165 : i32
        %rem3A_167 = arith.constant 4 : i32
        %rem3A_168 = arith.remsi %add3A_166, %rem3A_167 : i32
        %mul3A_169 = arith.constant 256 : i32
        %mul3A_170 = arith.muli %rem3A_168, %mul3A_169 : i32
        %multiple_of3A_171 = tpu.assume_multiple %mul3A_170, 256 : i32
        %add3A_172 = arith.addi %mul3A_2, %add3A_166 : i32
        %mul3A_173 = arith.constant 200 : i32
        %mul3A_174 = arith.muli %add3A_172, %mul3A_173 : i32
        %dma_start3A_175 = tpu.memref_slice %arg8[%multiple_of3A_171] : memref<1024xi32, #tpu.memory_space<vmem>> -> memref<200xi32, #tpu.memory_space<vmem>>
        %dma_start3A_176 = tpu.memref_slice %arg2[%mul3A_174] : memref<819200xi32, #tpu.memory_space<hbm>> -> memref<200xi32, #tpu.memory_space<hbm>>
        %dma_start3A_177 = tpu.memref_slice %arg8[%multiple_of3A_171] : memref<1024xi32, #tpu.memory_space<vmem>> -> memref<200xi32, #tpu.memory_space<vmem>>
        %dma_start3A_178 = tpu.memref_slice %arg2[%mul3A_174] : memref<819200xi32, #tpu.memory_space<hbm>> -> memref<200xi32, #tpu.memory_space<hbm>>
        tpu.enqueue_dma source(%dma_start3A_178 : memref<200xi32, #tpu.memory_space<hbm>>) target(%dma_start3A_177 : memref<200xi32, #tpu.memory_space<vmem>>) target_semaphore(%arg15 : memref<!tpu.dma_semaphore, #tpu.memory_space<semaphore_mem>>)
        %dma_start3A_179 = tpu.memref_slice %arg9[%multiple_of3A_171] : memref<1024xi32, #tpu.memory_space<vmem>> -> memref<200xi32, #tpu.memory_space<vmem>>
        %dma_start3A_180 = tpu.memref_slice %arg3[%mul3A_174] : memref<819200xi32, #tpu.memory_space<hbm>> -> memref<200xi32, #tpu.memory_space<hbm>>
        %dma_start3A_181 = tpu.memref_slice %arg9[%multiple_of3A_171] : memref<1024xi32, #tpu.memory_space<vmem>> -> memref<200xi32, #tpu.memory_space<vmem>>
        %dma_start3A_182 = tpu.memref_slice %arg3[%mul3A_174] : memref<819200xi32, #tpu.memory_space<hbm>> -> memref<200xi32, #tpu.memory_space<hbm>>
        tpu.enqueue_dma source(%dma_start3A_182 : memref<200xi32, #tpu.memory_space<hbm>>) target(%dma_start3A_181 : memref<200xi32, #tpu.memory_space<vmem>>) target_semaphore(%arg16 : memref<!tpu.dma_semaphore, #tpu.memory_space<semaphore_mem>>)
      } else {
      }
      %ge3A_160 = arith.constant 1 : i32
      %ge3A_161 = arith.cmpi sge, %scan3A_123, %ge3A_160 : i32
      %convert_element_type3A_162 = arith.extui %ge3A_161 : i1 to i32
      %cond3A_163 = arith.constant 0 : i32
      %cond3A_164 = arith.cmpi ne, %convert_element_type3A_162, %cond3A_163 : i32
      scf.if %cond3A_164 {
        %sub3A = arith.constant 1 : i32
        %sub3A_165 = arith.subi %scan3A_123, %sub3A : i32
        %rem3A_166 = arith.constant 2 : i32
        %rem3A_167 = arith.remsi %sub3A_165, %rem3A_166 : i32
        %eq3A_168 = arith.constant 0 : i32
        %eq3A_169 = arith.cmpi eq, %rem3A_167, %eq3A_168 : i32
        %convert_element_type3A_170 = arith.extui %eq3A_169 : i1 to i32
        %cond3A_171 = arith.constant 0 : i32
        %cond3A_172 = arith.cmpi ne, %convert_element_type3A_170, %cond3A_171 : i32
        scf.if %cond3A_172 {
          %div3A_212 = arith.constant 2 : i32
          %div3A_213 = arith.divsi %sub3A_165, %div3A_212 : i32
          %rem3A_214 = arith.constant 2 : i32
          %rem3A_215 = arith.remsi %sub3A_165, %rem3A_214 : i32
          %rem3A_216 = arith.constant 4 : i32
          %rem3A_217 = arith.remsi %div3A_213, %rem3A_216 : i32
          %mul3A_218 = arith.constant 256 : i32
          %mul3A_219 = arith.muli %rem3A_217, %mul3A_218 : i32
          %multiple_of3A_220 = tpu.assume_multiple %mul3A_219, 256 : i32
          %mul3A_221 = arith.constant 96 : i32
          %mul3A_222 = arith.muli %rem3A_215, %mul3A_221 : i32
          %add3A_223 = arith.addi %multiple_of3A_220, %mul3A_222 : i32
          %rem3A_224 = arith.constant 2 : i32
          %rem3A_225 = arith.remsi %sub3A_165, %rem3A_224 : i32
          %dma_wait3A = arith.constant 0 : i32
          %dma_wait3A_226 = arith.constant 0 : i32
          %dma_wait3A_227 = tpu.memref_slice %arg10[%rem3A_225, %dma_wait3A, %dma_wait3A_226] : memref<2x104x128xf32, #tpu.memory_space<vmem>> -> memref<1x96x128xf32, #tpu.memory_space<vmem>>
          %dma_wait3A_228 = tpu.memref_squeeze %dma_wait3A_227 : memref<1x96x128xf32, #tpu.memory_space<vmem>> -> memref<96x128xf32, #tpu.memory_space<vmem>>
          %dma_wait3A_229 = tpu.memref_slice %arg8[%add3A_223] : memref<1024xi32, #tpu.memory_space<vmem>> -> memref<96xi32, #tpu.memory_space<vmem>>
          %dma_wait3A_230 = arith.constant 0 : i32
          %dma_wait3A_231 = arith.constant 0 : i32
          %dma_wait3A_232 = tpu.memref_slice %arg4[%dma_wait3A_230, %dma_wait3A_231] : memref<100000x128xf32, #tpu.memory_space<hbm>> -> memref<100000x128xf32, #tpu.memory_space<hbm>>
          tpu.wait_indirect_dma semaphore(%arg17 : memref<!tpu.dma_semaphore, #tpu.memory_space<semaphore_mem>>) src(%dma_wait3A_232 : memref<100000x128xf32, #tpu.memory_space<hbm>>) dst(%dma_wait3A_228 : memref<96x128xf32, #tpu.memory_space<vmem>>)
          %dma_wait3A_233 = arith.constant 0 : i32
          %dma_wait3A_234 = arith.constant 0 : i32
          %dma_wait3A_235 = tpu.memref_slice %arg11[%rem3A_225, %dma_wait3A_233, %dma_wait3A_234] : memref<2x104x128xf32, #tpu.memory_space<vmem>> -> memref<1x96x128xf32, #tpu.memory_space<vmem>>
          %dma_wait3A_236 = tpu.memref_squeeze %dma_wait3A_235 : memref<1x96x128xf32, #tpu.memory_space<vmem>> -> memref<96x128xf32, #tpu.memory_space<vmem>>
          %dma_wait3A_237 = tpu.memref_slice %arg9[%add3A_223] : memref<1024xi32, #tpu.memory_space<vmem>> -> memref<96xi32, #tpu.memory_space<vmem>>
          %dma_wait3A_238 = arith.constant 0 : i32
          %dma_wait3A_239 = arith.constant 0 : i32
          %dma_wait3A_240 = tpu.memref_slice %arg14[%dma_wait3A_238, %dma_wait3A_239] : memref<1000x128xf32, #tpu.memory_space<vmem_shared>> -> memref<1000x128xf32, #tpu.memory_space<vmem_shared>>
          tpu.wait_indirect_dma semaphore(%arg18 : memref<!tpu.dma_semaphore, #tpu.memory_space<semaphore_mem>>) src(%dma_wait3A_240 : memref<1000x128xf32, #tpu.memory_space<vmem_shared>>) dst(%dma_wait3A_236 : memref<96x128xf32, #tpu.memory_space<vmem>>)
        } else {
        }
        %rem3A_173 = arith.constant 2 : i32
        %rem3A_174 = arith.remsi %sub3A_165, %rem3A_173 : i32
        %eq3A_175 = arith.constant 1 : i32
        %eq3A_176 = arith.cmpi eq, %rem3A_174, %eq3A_175 : i32
        %convert_element_type3A_177 = arith.extui %eq3A_176 : i1 to i32
        %cond3A_178 = arith.constant 0 : i32
        %cond3A_179 = arith.cmpi ne, %convert_element_type3A_177, %cond3A_178 : i32
        scf.if %cond3A_179 {
          %div3A_212 = arith.constant 2 : i32
          %div3A_213 = arith.divsi %sub3A_165, %div3A_212 : i32
          %rem3A_214 = arith.constant 2 : i32
          %rem3A_215 = arith.remsi %sub3A_165, %rem3A_214 : i32
          %rem3A_216 = arith.constant 4 : i32
          %rem3A_217 = arith.remsi %div3A_213, %rem3A_216 : i32
          %mul3A_218 = arith.constant 256 : i32
          %mul3A_219 = arith.muli %rem3A_217, %mul3A_218 : i32
          %multiple_of3A_220 = tpu.assume_multiple %mul3A_219, 256 : i32
          %mul3A_221 = arith.constant 96 : i32
          %mul3A_222 = arith.muli %rem3A_215, %mul3A_221 : i32
          %add3A_223 = arith.addi %multiple_of3A_220, %mul3A_222 : i32
          %rem3A_224 = arith.constant 2 : i32
          %rem3A_225 = arith.remsi %sub3A_165, %rem3A_224 : i32
          %dma_wait3A = arith.constant 0 : i32
          %dma_wait3A_226 = arith.constant 0 : i32
          %dma_wait3A_227 = tpu.memref_slice %arg10[%rem3A_225, %dma_wait3A, %dma_wait3A_226] : memref<2x104x128xf32, #tpu.memory_space<vmem>> -> memref<1x104x128xf32, #tpu.memory_space<vmem>>
          %dma_wait3A_228 = tpu.memref_squeeze %dma_wait3A_227 : memref<1x104x128xf32, #tpu.memory_space<vmem>> -> memref<104x128xf32, #tpu.memory_space<vmem>>
          %dma_wait3A_229 = tpu.memref_slice %arg8[%add3A_223] : memref<1024xi32, #tpu.memory_space<vmem>> -> memref<104xi32, #tpu.memory_space<vmem>>
          %dma_wait3A_230 = arith.constant 0 : i32
          %dma_wait3A_231 = arith.constant 0 : i32
          %dma_wait3A_232 = tpu.memref_slice %arg4[%dma_wait3A_230, %dma_wait3A_231] : memref<100000x128xf32, #tpu.memory_space<hbm>> -> memref<100000x128xf32, #tpu.memory_space<hbm>>
          tpu.wait_indirect_dma semaphore(%arg17 : memref<!tpu.dma_semaphore, #tpu.memory_space<semaphore_mem>>) src(%dma_wait3A_232 : memref<100000x128xf32, #tpu.memory_space<hbm>>) dst(%dma_wait3A_228 : memref<104x128xf32, #tpu.memory_space<vmem>>)
          %dma_wait3A_233 = arith.constant 0 : i32
          %dma_wait3A_234 = arith.constant 0 : i32
          %dma_wait3A_235 = tpu.memref_slice %arg11[%rem3A_225, %dma_wait3A_233, %dma_wait3A_234] : memref<2x104x128xf32, #tpu.memory_space<vmem>> -> memref<1x104x128xf32, #tpu.memory_space<vmem>>
          %dma_wait3A_236 = tpu.memref_squeeze %dma_wait3A_235 : memref<1x104x128xf32, #tpu.memory_space<vmem>> -> memref<104x128xf32, #tpu.memory_space<vmem>>
          %dma_wait3A_237 = tpu.memref_slice %arg9[%add3A_223] : memref<1024xi32, #tpu.memory_space<vmem>> -> memref<104xi32, #tpu.memory_space<vmem>>
          %dma_wait3A_238 = arith.constant 0 : i32
          %dma_wait3A_239 = arith.constant 0 : i32
          %dma_wait3A_240 = tpu.memref_slice %arg14[%dma_wait3A_238, %dma_wait3A_239] : memref<1000x128xf32, #tpu.memory_space<vmem_shared>> -> memref<1000x128xf32, #tpu.memory_space<vmem_shared>>
          tpu.wait_indirect_dma semaphore(%arg18 : memref<!tpu.dma_semaphore, #tpu.memory_space<semaphore_mem>>) src(%dma_wait3A_240 : memref<1000x128xf32, #tpu.memory_space<vmem_shared>>) dst(%dma_wait3A_236 : memref<104x128xf32, #tpu.memory_space<vmem>>)
        } else {
        }
        %sub3A_180 = arith.constant 1 : i32
        %sub3A_181 = arith.subi %scan3A_123, %sub3A_180 : i32
        %rem3A_182 = arith.constant 2 : i32
        %rem3A_183 = arith.remsi %sub3A_181, %rem3A_182 : i32
        %eq3A_184 = arith.constant 0 : i32
        %eq3A_185 = arith.cmpi eq, %rem3A_183, %eq3A_184 : i32
        %convert_element_type3A_186 = arith.extui %eq3A_185 : i1 to i32
        %cond3A_187 = arith.constant 0 : i32
        %cond3A_188 = arith.cmpi ne, %convert_element_type3A_186, %cond3A_187 : i32
        scf.if %cond3A_188 {
          %rem3A_212 = arith.constant 2 : i32
          %rem3A_213 = arith.remsi %sub3A_181, %rem3A_212 : i32
          %scan3A_214 = arith.constant 0 : i32
          %scan3A_215 = arith.constant 0 : i32
          %scan3A_216 = arith.constant 96 : i32
          %scan3A_217 = arith.addi %scan3A_215, %scan3A_216 : i32
          %scan3A_218 = arith.constant 1 : i32
          scf.for %scan3A_220 = %scan3A_215 to %scan3A_217 step %scan3A_218  : i32 {
            %get3A = arith.index_cast %rem3A_213 : i32 to index
            %get3A_221 = arith.index_cast %scan3A_220 : i32 to index
            %get3A_222 = arith.constant 0 : index
            %get3A_223 = tpu.vector_load %arg10[%get3A, %get3A_221, %get3A_222] {strides = array<i32>} : memref<2x104x128xf32, #tpu.memory_space<vmem>>, vector<1x1x16xf32>,
            %get3A_224 = vector.shape_cast %get3A_223 : vector<1x1x16xf32> to vector<16xf32>
            %swap3A = arith.index_cast %rem3A_213 : i32 to index
            %swap3A_225 = arith.index_cast %scan3A_220 : i32 to index
            %swap3A_226 = arith.constant 0 : index
            %swap3A_227 = tpu.vector_load %arg12[%swap3A, %swap3A_225, %swap3A_226] {strides = array<i32>} : memref<2x104x64xf32, #tpu.memory_space<vmem>>, vector<1x1x16xf32>,
            %swap3A_228 = vector.shape_cast %swap3A_227 : vector<1x1x16xf32> to vector<16xf32>
            %swap3A_229 = vector.shape_cast %get3A_224 : vector<16xf32> to vector<1x1x16xf32>
            tpu.vector_store %arg12[%swap3A, %swap3A_225, %swap3A_226], %swap3A_229 {strides = array<i32>} : memref<2x104x64xf32, #tpu.memory_space<vmem>>, vector<1x1x16xf32>,
            %get3A_230 = arith.index_cast %rem3A_213 : i32 to index
            %get3A_231 = arith.index_cast %scan3A_220 : i32 to index
            %get3A_232 = arith.constant 0 : index
            %get3A_233 = tpu.vector_load %arg11[%get3A_230, %get3A_231, %get3A_232] {strides = array<i32>} : memref<2x104x128xf32, #tpu.memory_space<vmem>>, vector<1x1x16xf32>,
            %get3A_234 = vector.shape_cast %get3A_233 : vector<1x1x16xf32> to vector<16xf32>
            %swap3A_235 = arith.index_cast %rem3A_213 : i32 to index
            %swap3A_236 = arith.index_cast %scan3A_220 : i32 to index
            %swap3A_237 = arith.constant 0 : index
            %swap3A_238 = tpu.vector_load %arg13[%swap3A_235, %swap3A_236, %swap3A_237] {strides = array<i32>} : memref<2x104x64xf32, #tpu.memory_space<vmem>>, vector<1x1x16xf32>,
            %swap3A_239 = vector.shape_cast %swap3A_238 : vector<1x1x16xf32> to vector<16xf32>
            %swap3A_240 = vector.shape_cast %get3A_234 : vector<16xf32> to vector<1x1x16xf32>
            tpu.vector_store %arg13[%swap3A_235, %swap3A_236, %swap3A_237], %swap3A_240 {strides = array<i32>} : memref<2x104x64xf32, #tpu.memory_space<vmem>>, vector<1x1x16xf32>,
            %get3A_241 = arith.index_cast %rem3A_213 : i32 to index
            %get3A_242 = arith.index_cast %scan3A_220 : i32 to index
            %get3A_243 = arith.constant 16 : index
            %get3A_244 = tpu.vector_load %arg10[%get3A_241, %get3A_242, %get3A_243] {strides = array<i32>} : memref<2x104x128xf32, #tpu.memory_space<vmem>>, vector<1x1x16xf32>,
            %get3A_245 = vector.shape_cast %get3A_244 : vector<1x1x16xf32> to vector<16xf32>
            %swap3A_246 = arith.index_cast %rem3A_213 : i32 to index
            %swap3A_247 = arith.index_cast %scan3A_220 : i32 to index
            %swap3A_248 = arith.constant 16 : index
            %swap3A_249 = tpu.vector_load %arg12[%swap3A_246, %swap3A_247, %swap3A_248] {strides = array<i32>} : memref<2x104x64xf32, #tpu.memory_space<vmem>>, vector<1x1x16xf32>,
            %swap3A_250 = vector.shape_cast %swap3A_249 : vector<1x1x16xf32> to vector<16xf32>
            %swap3A_251 = vector.shape_cast %get3A_245 : vector<16xf32> to vector<1x1x16xf32>
            tpu.vector_store %arg12[%swap3A_246, %swap3A_247, %swap3A_248], %swap3A_251 {strides = array<i32>} : memref<2x104x64xf32, #tpu.memory_space<vmem>>, vector<1x1x16xf32>,
            %get3A_252 = arith.index_cast %rem3A_213 : i32 to index
            %get3A_253 = arith.index_cast %scan3A_220 : i32 to index
            %get3A_254 = arith.constant 16 : index
            %get3A_255 = tpu.vector_load %arg11[%get3A_252, %get3A_253, %get3A_254] {strides = array<i32>} : memref<2x104x128xf32, #tpu.memory_space<vmem>>, vector<1x1x16xf32>,
            %get3A_256 = vector.shape_cast %get3A_255 : vector<1x1x16xf32> to vector<16xf32>
            %swap3A_257 = arith.index_cast %rem3A_213 : i32 to index
            %swap3A_258 = arith.index_cast %scan3A_220 : i32 to index
            %swap3A_259 = arith.constant 16 : index
            %swap3A_260 = tpu.vector_load %arg13[%swap3A_257, %swap3A_258, %swap3A_259] {strides = array<i32>} : memref<2x104x64xf32, #tpu.memory_space<vmem>>, vector<1x1x16xf32>,
            %swap3A_261 = vector.shape_cast %swap3A_260 : vector<1x1x16xf32> to vector<16xf32>
            %swap3A_262 = vector.shape_cast %get3A_256 : vector<16xf32> to vector<1x1x16xf32>
            tpu.vector_store %arg13[%swap3A_257, %swap3A_258, %swap3A_259], %swap3A_262 {strides = array<i32>} : memref<2x104x64xf32, #tpu.memory_space<vmem>>, vector<1x1x16xf32>,
            %get3A_263 = arith.index_cast %rem3A_213 : i32 to index
            %get3A_264 = arith.index_cast %scan3A_220 : i32 to index
            %get3A_265 = arith.constant 32 : index
            %get3A_266 = tpu.vector_load %arg10[%get3A_263, %get3A_264, %get3A_265] {strides = array<i32>} : memref<2x104x128xf32, #tpu.memory_space<vmem>>, vector<1x1x16xf32>,
            %get3A_267 = vector.shape_cast %get3A_266 : vector<1x1x16xf32> to vector<16xf32>
            %swap3A_268 = arith.index_cast %rem3A_213 : i32 to index
            %swap3A_269 = arith.index_cast %scan3A_220 : i32 to index
            %swap3A_270 = arith.constant 32 : index
            %swap3A_271 = tpu.vector_load %arg12[%swap3A_268, %swap3A_269, %swap3A_270] {strides = array<i32>} : memref<2x104x64xf32, #tpu.memory_space<vmem>>, vector<1x1x16xf32>,
            %swap3A_272 = vector.shape_cast %swap3A_271 : vector<1x1x16xf32> to vector<16xf32>
            %swap3A_273 = vector.shape_cast %get3A_267 : vector<16xf32> to vector<1x1x16xf32>
            tpu.vector_store %arg12[%swap3A_268, %swap3A_269, %swap3A_270], %swap3A_273 {strides = array<i32>} : memref<2x104x64xf32, #tpu.memory_space<vmem>>, vector<1x1x16xf32>,
            %get3A_274 = arith.index_cast %rem3A_213 : i32 to index
            %get3A_275 = arith.index_cast %scan3A_220 : i32 to index
            %get3A_276 = arith.constant 32 : index
            %get3A_277 = tpu.vector_load %arg11[%get3A_274, %get3A_275, %get3A_276] {strides = array<i32>} : memref<2x104x128xf32, #tpu.memory_space<vmem>>, vector<1x1x16xf32>,
            %get3A_278 = vector.shape_cast %get3A_277 : vector<1x1x16xf32> to vector<16xf32>
            %swap3A_279 = arith.index_cast %rem3A_213 : i32 to index
            %swap3A_280 = arith.index_cast %scan3A_220 : i32 to index
            %swap3A_281 = arith.constant 32 : index
            %swap3A_282 = tpu.vector_load %arg13[%swap3A_279, %swap3A_280, %swap3A_281] {strides = array<i32>} : memref<2x104x64xf32, #tpu.memory_space<vmem>>, vector<1x1x16xf32>,
            %swap3A_283 = vector.shape_cast %swap3A_282 : vector<1x1x16xf32> to vector<16xf32>
            %swap3A_284 = vector.shape_cast %get3A_278 : vector<16xf32> to vector<1x1x16xf32>
            tpu.vector_store %arg13[%swap3A_279, %swap3A_280, %swap3A_281], %swap3A_284 {strides = array<i32>} : memref<2x104x64xf32, #tpu.memory_space<vmem>>, vector<1x1x16xf32>,
            %get3A_285 = arith.index_cast %rem3A_213 : i32 to index
            %get3A_286 = arith.index_cast %scan3A_220 : i32 to index
            %get3A_287 = arith.constant 48 : index
            %get3A_288 = tpu.vector_load %arg10[%get3A_285, %get3A_286, %get3A_287] {strides = array<i32>} : memref<2x104x128xf32, #tpu.memory_space<vmem>>, vector<1x1x16xf32>,
            %get3A_289 = vector.shape_cast %get3A_288 : vector<1x1x16xf32> to vector<16xf32>
            %swap3A_290 = arith.index_cast %rem3A_213 : i32 to index
            %swap3A_291 = arith.index_cast %scan3A_220 : i32 to index
            %swap3A_292 = arith.constant 48 : index
            %swap3A_293 = tpu.vector_load %arg12[%swap3A_290, %swap3A_291, %swap3A_292] {strides = array<i32>} : memref<2x104x64xf32, #tpu.memory_space<vmem>>, vector<1x1x16xf32>,
            %swap3A_294 = vector.shape_cast %swap3A_293 : vector<1x1x16xf32> to vector<16xf32>
            %swap3A_295 = vector.shape_cast %get3A_289 : vector<16xf32> to vector<1x1x16xf32>
            tpu.vector_store %arg12[%swap3A_290, %swap3A_291, %swap3A_292], %swap3A_295 {strides = array<i32>} : memref<2x104x64xf32, #tpu.memory_space<vmem>>, vector<1x1x16xf32>,
            %get3A_296 = arith.index_cast %rem3A_213 : i32 to index
            %get3A_297 = arith.index_cast %scan3A_220 : i32 to index
            %get3A_298 = arith.constant 48 : index
            %get3A_299 = tpu.vector_load %arg11[%get3A_296, %get3A_297, %get3A_298] {strides = array<i32>} : memref<2x104x128xf32, #tpu.memory_space<vmem>>, vector<1x1x16xf32>,
            %get3A_300 = vector.shape_cast %get3A_299 : vector<1x1x16xf32> to vector<16xf32>
            %swap3A_301 = arith.index_cast %rem3A_213 : i32 to index
            %swap3A_302 = arith.index_cast %scan3A_220 : i32 to index
            %swap3A_303 = arith.constant 48 : index
            %swap3A_304 = tpu.vector_load %arg13[%swap3A_301, %swap3A_302, %swap3A_303] {strides = array<i32>} : memref<2x104x64xf32, #tpu.memory_space<vmem>>, vector<1x1x16xf32>,
            %swap3A_305 = vector.shape_cast %swap3A_304 : vector<1x1x16xf32> to vector<16xf32>
            %swap3A_306 = vector.shape_cast %get3A_300 : vector<16xf32> to vector<1x1x16xf32>
            tpu.vector_store %arg13[%swap3A_301, %swap3A_302, %swap3A_303], %swap3A_306 {strides = array<i32>} : memref<2x104x64xf32, #tpu.memory_space<vmem>>, vector<1x1x16xf32>,
          }
          %scan3A_219 = arith.constant 96 : i32
        } else {
        }
        %rem3A_189 = arith.constant 2 : i32
        %rem3A_190 = arith.remsi %sub3A_181, %rem3A_189 : i32
        %eq3A_191 = arith.constant 1 : i32
        %eq3A_192 = arith.cmpi eq, %rem3A_190, %eq3A_191 : i32
        %convert_element_type3A_193 = arith.extui %eq3A_192 : i1 to i32
        %cond3A_194 = arith.constant 0 : i32
        %cond3A_195 = arith.cmpi ne, %convert_element_type3A_193, %cond3A_194 : i32
        scf.if %cond3A_195 {
          %rem3A_212 = arith.constant 2 : i32
          %rem3A_213 = arith.remsi %sub3A_181, %rem3A_212 : i32
          %scan3A_214 = arith.constant 0 : i32
          %scan3A_215 = arith.constant 0 : i32
          %scan3A_216 = arith.constant 104 : i32
          %scan3A_217 = arith.addi %scan3A_215, %scan3A_216 : i32
          %scan3A_218 = arith.constant 1 : i32
          scf.for %scan3A_220 = %scan3A_215 to %scan3A_217 step %scan3A_218  : i32 {
            %get3A = arith.index_cast %rem3A_213 : i32 to index
            %get3A_221 = arith.index_cast %scan3A_220 : i32 to index
            %get3A_222 = arith.constant 0 : index
            %get3A_223 = tpu.vector_load %arg10[%get3A, %get3A_221, %get3A_222] {strides = array<i32>} : memref<2x104x128xf32, #tpu.memory_space<vmem>>, vector<1x1x16xf32>,
            %get3A_224 = vector.shape_cast %get3A_223 : vector<1x1x16xf32> to vector<16xf32>
            %swap3A = arith.index_cast %rem3A_213 : i32 to index
            %swap3A_225 = arith.index_cast %scan3A_220 : i32 to index
            %swap3A_226 = arith.constant 0 : index
            %swap3A_227 = tpu.vector_load %arg12[%swap3A, %swap3A_225, %swap3A_226] {strides = array<i32>} : memref<2x104x64xf32, #tpu.memory_space<vmem>>, vector<1x1x16xf32>,
            %swap3A_228 = vector.shape_cast %swap3A_227 : vector<1x1x16xf32> to vector<16xf32>
            %swap3A_229 = vector.shape_cast %get3A_224 : vector<16xf32> to vector<1x1x16xf32>
            tpu.vector_store %arg12[%swap3A, %swap3A_225, %swap3A_226], %swap3A_229 {strides = array<i32>} : memref<2x104x64xf32, #tpu.memory_space<vmem>>, vector<1x1x16xf32>,
            %get3A_230 = arith.index_cast %rem3A_213 : i32 to index
            %get3A_231 = arith.index_cast %scan3A_220 : i32 to index
            %get3A_232 = arith.constant 0 : index
            %get3A_233 = tpu.vector_load %arg11[%get3A_230, %get3A_231, %get3A_232] {strides = array<i32>} : memref<2x104x128xf32, #tpu.memory_space<vmem>>, vector<1x1x16xf32>,
            %get3A_234 = vector.shape_cast %get3A_233 : vector<1x1x16xf32> to vector<16xf32>
            %swap3A_235 = arith.index_cast %rem3A_213 : i32 to index
            %swap3A_236 = arith.index_cast %scan3A_220 : i32 to index
            %swap3A_237 = arith.constant 0 : index
            %swap3A_238 = tpu.vector_load %arg13[%swap3A_235, %swap3A_236, %swap3A_237] {strides = array<i32>} : memref<2x104x64xf32, #tpu.memory_space<vmem>>, vector<1x1x16xf32>,
            %swap3A_239 = vector.shape_cast %swap3A_238 : vector<1x1x16xf32> to vector<16xf32>
            %swap3A_240 = vector.shape_cast %get3A_234 : vector<16xf32> to vector<1x1x16xf32>
            tpu.vector_store %arg13[%swap3A_235, %swap3A_236, %swap3A_237], %swap3A_240 {strides = array<i32>} : memref<2x104x64xf32, #tpu.memory_space<vmem>>, vector<1x1x16xf32>,
            %get3A_241 = arith.index_cast %rem3A_213 : i32 to index
            %get3A_242 = arith.index_cast %scan3A_220 : i32 to index
            %get3A_243 = arith.constant 16 : index
            %get3A_244 = tpu.vector_load %arg10[%get3A_241, %get3A_242, %get3A_243] {strides = array<i32>} : memref<2x104x128xf32, #tpu.memory_space<vmem>>, vector<1x1x16xf32>,
            %get3A_245 = vector.shape_cast %get3A_244 : vector<1x1x16xf32> to vector<16xf32>
            %swap3A_246 = arith.index_cast %rem3A_213 : i32 to index
            %swap3A_247 = arith.index_cast %scan3A_220 : i32 to index
            %swap3A_248 = arith.constant 16 : index
            %swap3A_249 = tpu.vector_load %arg12[%swap3A_246, %swap3A_247, %swap3A_248] {strides = array<i32>} : memref<2x104x64xf32, #tpu.memory_space<vmem>>, vector<1x1x16xf32>,
            %swap3A_250 = vector.shape_cast %swap3A_249 : vector<1x1x16xf32> to vector<16xf32>
            %swap3A_251 = vector.shape_cast %get3A_245 : vector<16xf32> to vector<1x1x16xf32>
            tpu.vector_store %arg12[%swap3A_246, %swap3A_247, %swap3A_248], %swap3A_251 {strides = array<i32>} : memref<2x104x64xf32, #tpu.memory_space<vmem>>, vector<1x1x16xf32>,
            %get3A_252 = arith.index_cast %rem3A_213 : i32 to index
            %get3A_253 = arith.index_cast %scan3A_220 : i32 to index
            %get3A_254 = arith.constant 16 : index
            %get3A_255 = tpu.vector_load %arg11[%get3A_252, %get3A_253, %get3A_254] {strides = array<i32>} : memref<2x104x128xf32, #tpu.memory_space<vmem>>, vector<1x1x16xf32>,
            %get3A_256 = vector.shape_cast %get3A_255 : vector<1x1x16xf32> to vector<16xf32>
            %swap3A_257 = arith.index_cast %rem3A_213 : i32 to index
            %swap3A_258 = arith.index_cast %scan3A_220 : i32 to index
            %swap3A_259 = arith.constant 16 : index
            %swap3A_260 = tpu.vector_load %arg13[%swap3A_257, %swap3A_258, %swap3A_259] {strides = array<i32>} : memref<2x104x64xf32, #tpu.memory_space<vmem>>, vector<1x1x16xf32>,
            %swap3A_261 = vector.shape_cast %swap3A_260 : vector<1x1x16xf32> to vector<16xf32>
            %swap3A_262 = vector.shape_cast %get3A_256 : vector<16xf32> to vector<1x1x16xf32>
            tpu.vector_store %arg13[%swap3A_257, %swap3A_258, %swap3A_259], %swap3A_262 {strides = array<i32>} : memref<2x104x64xf32, #tpu.memory_space<vmem>>, vector<1x1x16xf32>,
            %get3A_263 = arith.index_cast %rem3A_213 : i32 to index
            %get3A_264 = arith.index_cast %scan3A_220 : i32 to index
            %get3A_265 = arith.constant 32 : index
            %get3A_266 = tpu.vector_load %arg10[%get3A_263, %get3A_264, %get3A_265] {strides = array<i32>} : memref<2x104x128xf32, #tpu.memory_space<vmem>>, vector<1x1x16xf32>,
            %get3A_267 = vector.shape_cast %get3A_266 : vector<1x1x16xf32> to vector<16xf32>
            %swap3A_268 = arith.index_cast %rem3A_213 : i32 to index
            %swap3A_269 = arith.index_cast %scan3A_220 : i32 to index
            %swap3A_270 = arith.constant 32 : index
            %swap3A_271 = tpu.vector_load %arg12[%swap3A_268, %swap3A_269, %swap3A_270] {strides = array<i32>} : memref<2x104x64xf32, #tpu.memory_space<vmem>>, vector<1x1x16xf32>,
            %swap3A_272 = vector.shape_cast %swap3A_271 : vector<1x1x16xf32> to vector<16xf32>
            %swap3A_273 = vector.shape_cast %get3A_267 : vector<16xf32> to vector<1x1x16xf32>
            tpu.vector_store %arg12[%swap3A_268, %swap3A_269, %swap3A_270], %swap3A_273 {strides = array<i32>} : memref<2x104x64xf32, #tpu.memory_space<vmem>>, vector<1x1x16xf32>,
            %get3A_274 = arith.index_cast %rem3A_213 : i32 to index
            %get3A_275 = arith.index_cast %scan3A_220 : i32 to index
            %get3A_276 = arith.constant 32 : index
            %get3A_277 = tpu.vector_load %arg11[%get3A_274, %get3A_275, %get3A_276] {strides = array<i32>} : memref<2x104x128xf32, #tpu.memory_space<vmem>>, vector<1x1x16xf32>,
            %get3A_278 = vector.shape_cast %get3A_277 : vector<1x1x16xf32> to vector<16xf32>
            %swap3A_279 = arith.index_cast %rem3A_213 : i32 to index
            %swap3A_280 = arith.index_cast %scan3A_220 : i32 to index
            %swap3A_281 = arith.constant 32 : index
            %swap3A_282 = tpu.vector_load %arg13[%swap3A_279, %swap3A_280, %swap3A_281] {strides = array<i32>} : memref<2x104x64xf32, #tpu.memory_space<vmem>>, vector<1x1x16xf32>,
            %swap3A_283 = vector.shape_cast %swap3A_282 : vector<1x1x16xf32> to vector<16xf32>
            %swap3A_284 = vector.shape_cast %get3A_278 : vector<16xf32> to vector<1x1x16xf32>
            tpu.vector_store %arg13[%swap3A_279, %swap3A_280, %swap3A_281], %swap3A_284 {strides = array<i32>} : memref<2x104x64xf32, #tpu.memory_space<vmem>>, vector<1x1x16xf32>,
            %get3A_285 = arith.index_cast %rem3A_213 : i32 to index
            %get3A_286 = arith.index_cast %scan3A_220 : i32 to index
            %get3A_287 = arith.constant 48 : index
            %get3A_288 = tpu.vector_load %arg10[%get3A_285, %get3A_286, %get3A_287] {strides = array<i32>} : memref<2x104x128xf32, #tpu.memory_space<vmem>>, vector<1x1x16xf32>,
            %get3A_289 = vector.shape_cast %get3A_288 : vector<1x1x16xf32> to vector<16xf32>
            %swap3A_290 = arith.index_cast %rem3A_213 : i32 to index
            %swap3A_291 = arith.index_cast %scan3A_220 : i32 to index
            %swap3A_292 = arith.constant 48 : index
            %swap3A_293 = tpu.vector_load %arg12[%swap3A_290, %swap3A_291, %swap3A_292] {strides = array<i32>} : memref<2x104x64xf32, #tpu.memory_space<vmem>>, vector<1x1x16xf32>,
            %swap3A_294 = vector.shape_cast %swap3A_293 : vector<1x1x16xf32> to vector<16xf32>
            %swap3A_295 = vector.shape_cast %get3A_289 : vector<16xf32> to vector<1x1x16xf32>
            tpu.vector_store %arg12[%swap3A_290, %swap3A_291, %swap3A_292], %swap3A_295 {strides = array<i32>} : memref<2x104x64xf32, #tpu.memory_space<vmem>>, vector<1x1x16xf32>,
            %get3A_296 = arith.index_cast %rem3A_213 : i32 to index
            %get3A_297 = arith.index_cast %scan3A_220 : i32 to index
            %get3A_298 = arith.constant 48 : index
            %get3A_299 = tpu.vector_load %arg11[%get3A_296, %get3A_297, %get3A_298] {strides = array<i32>} : memref<2x104x128xf32, #tpu.memory_space<vmem>>, vector<1x1x16xf32>,
            %get3A_300 = vector.shape_cast %get3A_299 : vector<1x1x16xf32> to vector<16xf32>
            %swap3A_301 = arith.index_cast %rem3A_213 : i32 to index
            %swap3A_302 = arith.index_cast %scan3A_220 : i32 to index
            %swap3A_303 = arith.constant 48 : index
            %swap3A_304 = tpu.vector_load %arg13[%swap3A_301, %swap3A_302, %swap3A_303] {strides = array<i32>} : memref<2x104x64xf32, #tpu.memory_space<vmem>>, vector<1x1x16xf32>,
            %swap3A_305 = vector.shape_cast %swap3A_304 : vector<1x1x16xf32> to vector<16xf32>
            %swap3A_306 = vector.shape_cast %get3A_300 : vector<16xf32> to vector<1x1x16xf32>
            tpu.vector_store %arg13[%swap3A_301, %swap3A_302, %swap3A_303], %swap3A_306 {strides = array<i32>} : memref<2x104x64xf32, #tpu.memory_space<vmem>>, vector<1x1x16xf32>,
          }
          %scan3A_219 = arith.constant 104 : i32
        } else {
        }
        %sub3A_196 = arith.constant 1 : i32
        %sub3A_197 = arith.subi %scan3A_123, %sub3A_196 : i32
        %rem3A_198 = arith.constant 2 : i32
        %rem3A_199 = arith.remsi %sub3A_197, %rem3A_198 : i32
        %eq3A_200 = arith.constant 0 : i32
        %eq3A_201 = arith.cmpi eq, %rem3A_199, %eq3A_200 : i32
        %convert_element_type3A_202 = arith.extui %eq3A_201 : i1 to i32
        %cond3A_203 = arith.constant 0 : i32
        %cond3A_204 = arith.cmpi ne, %convert_element_type3A_202, %cond3A_203 : i32
        scf.if %cond3A_204 {
          %div3A_212 = arith.constant 2 : i32
          %div3A_213 = arith.divsi %sub3A_197, %div3A_212 : i32
          %rem3A_214 = arith.constant 2 : i32
          %rem3A_215 = arith.remsi %sub3A_197, %rem3A_214 : i32
          %rem3A_216 = arith.constant 2 : i32
          %rem3A_217 = arith.remsi %sub3A_197, %rem3A_216 : i32
          %add3A_218 = arith.addi %mul3A_2, %div3A_213 : i32
          %mul3A_219 = arith.constant 200 : i32
          %mul3A_220 = arith.muli %add3A_218, %mul3A_219 : i32
          %mul3A_221 = arith.constant 96 : i32
          %mul3A_222 = arith.muli %rem3A_215, %mul3A_221 : i32
          %add3A_223 = arith.addi %mul3A_220, %mul3A_222 : i32
          %dma_start3A_224 = arith.constant 0 : i32
          %dma_start3A_225 = arith.constant 0 : i32
          %dma_start3A_226 = tpu.memref_slice %arg12[%rem3A_217, %dma_start3A_224, %dma_start3A_225] : memref<2x104x64xf32, #tpu.memory_space<vmem>> -> memref<1x96x64xf32, #tpu.memory_space<vmem>>
          %dma_start3A_227 = tpu.memref_squeeze %dma_start3A_226 : memref<1x96x64xf32, #tpu.memory_space<vmem>> -> memref<96x64xf32, #tpu.memory_space<vmem>>
          %dma_start3A_228 = arith.constant 0 : i32
          %dma_start3A_229 = tpu.memref_slice %arg7[%add3A_223, %dma_start3A_228] : memref<819200x64xf32, #tpu.memory_space<hbm>> -> memref<96x64xf32, #tpu.memory_space<hbm>>
          %dma_start3A_230 = arith.constant 0 : i32
          %dma_start3A_231 = tpu.memref_slice %arg7[%add3A_223, %dma_start3A_230] : memref<819200x64xf32, #tpu.memory_space<hbm>> -> memref<96x64xf32, #tpu.memory_space<hbm>>
          %dma_start3A_232 = arith.constant 0 : i32
          %dma_start3A_233 = arith.constant 0 : i32
          %dma_start3A_234 = tpu.memref_slice %arg12[%rem3A_217, %dma_start3A_232, %dma_start3A_233] : memref<2x104x64xf32, #tpu.memory_space<vmem>> -> memref<1x96x64xf32, #tpu.memory_space<vmem>>
          %dma_start3A_235 = tpu.memref_squeeze %dma_start3A_234 : memref<1x96x64xf32, #tpu.memory_space<vmem>> -> memref<96x64xf32, #tpu.memory_space<vmem>>
          tpu.enqueue_dma source(%dma_start3A_235 : memref<96x64xf32, #tpu.memory_space<vmem>>) target(%dma_start3A_231 : memref<96x64xf32, #tpu.memory_space<hbm>>) target_semaphore(%arg19 : memref<!tpu.dma_semaphore, #tpu.memory_space<semaphore_mem>>)
          %dma_start3A_236 = arith.constant 0 : i32
          %dma_start3A_237 = arith.constant 0 : i32
          %dma_start3A_238 = tpu.memref_slice %arg13[%rem3A_217, %dma_start3A_236, %dma_start3A_237] : memref<2x104x64xf32, #tpu.memory_space<vmem>> -> memref<1x96x64xf32, #tpu.memory_space<vmem>>
          %dma_start3A_239 = tpu.memref_squeeze %dma_start3A_238 : memref<1x96x64xf32, #tpu.memory_space<vmem>> -> memref<96x64xf32, #tpu.memory_space<vmem>>
          %dma_start3A_240 = arith.constant 0 : i32
          %dma_start3A_241 = tpu.memref_slice %arg6[%add3A_223, %dma_start3A_240] : memref<819200x64xf32, #tpu.memory_space<hbm>> -> memref<96x64xf32, #tpu.memory_space<hbm>>
          %dma_start3A_242 = arith.constant 0 : i32
          %dma_start3A_243 = tpu.memref_slice %arg6[%add3A_223, %dma_start3A_242] : memref<819200x64xf32, #tpu.memory_space<hbm>> -> memref<96x64xf32, #tpu.memory_space<hbm>>
          %dma_start3A_244 = arith.constant 0 : i32
          %dma_start3A_245 = arith.constant 0 : i32
          %dma_start3A_246 = tpu.memref_slice %arg13[%rem3A_217, %dma_start3A_244, %dma_start3A_245] : memref<2x104x64xf32, #tpu.memory_space<vmem>> -> memref<1x96x64xf32, #tpu.memory_space<vmem>>
          %dma_start3A_247 = tpu.memref_squeeze %dma_start3A_246 : memref<1x96x64xf32, #tpu.memory_space<vmem>> -> memref<96x64xf32, #tpu.memory_space<vmem>>
          tpu.enqueue_dma source(%dma_start3A_247 : memref<96x64xf32, #tpu.memory_space<vmem>>) target(%dma_start3A_243 : memref<96x64xf32, #tpu.memory_space<hbm>>) target_semaphore(%arg20 : memref<!tpu.dma_semaphore, #tpu.memory_space<semaphore_mem>>)
        } else {
        }
        %rem3A_205 = arith.constant 2 : i32
        %rem3A_206 = arith.remsi %sub3A_197, %rem3A_205 : i32
        %eq3A_207 = arith.constant 1 : i32
        %eq3A_208 = arith.cmpi eq, %rem3A_206, %eq3A_207 : i32
        %convert_element_type3A_209 = arith.extui %eq3A_208 : i1 to i32
        %cond3A_210 = arith.constant 0 : i32
        %cond3A_211 = arith.cmpi ne, %convert_element_type3A_209, %cond3A_210 : i32
        scf.if %cond3A_211 {
          %div3A_212 = arith.constant 2 : i32
          %div3A_213 = arith.divsi %sub3A_197, %div3A_212 : i32
          %rem3A_214 = arith.constant 2 : i32
          %rem3A_215 = arith.remsi %sub3A_197, %rem3A_214 : i32
          %rem3A_216 = arith.constant 2 : i32
          %rem3A_217 = arith.remsi %sub3A_197, %rem3A_216 : i32
          %add3A_218 = arith.addi %mul3A_2, %div3A_213 : i32
          %mul3A_219 = arith.constant 200 : i32
          %mul3A_220 = arith.muli %add3A_218, %mul3A_219 : i32
          %mul3A_221 = arith.constant 96 : i32
          %mul3A_222 = arith.muli %rem3A_215, %mul3A_221 : i32
          %add3A_223 = arith.addi %mul3A_220, %mul3A_222 : i32
          %dma_start3A_224 = arith.constant 0 : i32
          %dma_start3A_225 = arith.constant 0 : i32
          %dma_start3A_226 = tpu.memref_slice %arg12[%rem3A_217, %dma_start3A_224, %dma_start3A_225] : memref<2x104x64xf32, #tpu.memory_space<vmem>> -> memref<1x104x64xf32, #tpu.memory_space<vmem>>
          %dma_start3A_227 = tpu.memref_squeeze %dma_start3A_226 : memref<1x104x64xf32, #tpu.memory_space<vmem>> -> memref<104x64xf32, #tpu.memory_space<vmem>>
          %dma_start3A_228 = arith.constant 0 : i32
          %dma_start3A_229 = tpu.memref_slice %arg7[%add3A_223, %dma_start3A_228] : memref<819200x64xf32, #tpu.memory_space<hbm>> -> memref<104x64xf32, #tpu.memory_space<hbm>>
          %dma_start3A_230 = arith.constant 0 : i32
          %dma_start3A_231 = tpu.memref_slice %arg7[%add3A_223, %dma_start3A_230] : memref<819200x64xf32, #tpu.memory_space<hbm>> -> memref<104x64xf32, #tpu.memory_space<hbm>>
          %dma_start3A_232 = arith.constant 0 : i32
          %dma_start3A_233 = arith.constant 0 : i32
          %dma_start3A_234 = tpu.memref_slice %arg12[%rem3A_217, %dma_start3A_232, %dma_start3A_233] : memref<2x104x64xf32, #tpu.memory_space<vmem>> -> memref<1x104x64xf32, #tpu.memory_space<vmem>>
          %dma_start3A_235 = tpu.memref_squeeze %dma_start3A_234 : memref<1x104x64xf32, #tpu.memory_space<vmem>> -> memref<104x64xf32, #tpu.memory_space<vmem>>
          tpu.enqueue_dma source(%dma_start3A_235 : memref<104x64xf32, #tpu.memory_space<vmem>>) target(%dma_start3A_231 : memref<104x64xf32, #tpu.memory_space<hbm>>) target_semaphore(%arg19 : memref<!tpu.dma_semaphore, #tpu.memory_space<semaphore_mem>>)
          %dma_start3A_236 = arith.constant 0 : i32
          %dma_start3A_237 = arith.constant 0 : i32
          %dma_start3A_238 = tpu.memref_slice %arg13[%rem3A_217, %dma_start3A_236, %dma_start3A_237] : memref<2x104x64xf32, #tpu.memory_space<vmem>> -> memref<1x104x64xf32, #tpu.memory_space<vmem>>
          %dma_start3A_239 = tpu.memref_squeeze %dma_start3A_238 : memref<1x104x64xf32, #tpu.memory_space<vmem>> -> memref<104x64xf32, #tpu.memory_space<vmem>>
          %dma_start3A_240 = arith.constant 0 : i32
          %dma_start3A_241 = tpu.memref_slice %arg6[%add3A_223, %dma_start3A_240] : memref<819200x64xf32, #tpu.memory_space<hbm>> -> memref<104x64xf32, #tpu.memory_space<hbm>>
          %dma_start3A_242 = arith.constant 0 : i32
          %dma_start3A_243 = tpu.memref_slice %arg6[%add3A_223, %dma_start3A_242] : memref<819200x64xf32, #tpu.memory_space<hbm>> -> memref<104x64xf32, #tpu.memory_space<hbm>>
          %dma_start3A_244 = arith.constant 0 : i32
          %dma_start3A_245 = arith.constant 0 : i32
          %dma_start3A_246 = tpu.memref_slice %arg13[%rem3A_217, %dma_start3A_244, %dma_start3A_245] : memref<2x104x64xf32, #tpu.memory_space<vmem>> -> memref<1x104x64xf32, #tpu.memory_space<vmem>>
          %dma_start3A_247 = tpu.memref_squeeze %dma_start3A_246 : memref<1x104x64xf32, #tpu.memory_space<vmem>> -> memref<104x64xf32, #tpu.memory_space<vmem>>
          tpu.enqueue_dma source(%dma_start3A_247 : memref<104x64xf32, #tpu.memory_space<vmem>>) target(%dma_start3A_243 : memref<104x64xf32, #tpu.memory_space<hbm>>) target_semaphore(%arg20 : memref<!tpu.dma_semaphore, #tpu.memory_space<semaphore_mem>>)
        } else {
        }
      } else {
      }
    }
    %scan3A_42 = arith.constant 256 : i32
    %rem3A_43 = arith.constant 255 : i32
    %rem3A_44 = arith.constant 2 : i32
    %rem3A_45 = arith.remsi %rem3A_43, %rem3A_44 : i32
    %eq3A_46 = arith.constant 0 : i32
    %eq3A_47 = arith.cmpi eq, %rem3A_45, %eq3A_46 : i32
    %convert_element_type3A_48 = arith.extui %eq3A_47 : i1 to i32
    %cond3A_49 = arith.constant 0 : i32
    %cond3A_50 = arith.cmpi ne, %convert_element_type3A_48, %cond3A_49 : i32
    scf.if %cond3A_50 {
      %div3A = arith.constant 255 : i32
      %div3A_123 = arith.constant 2 : i32
      %div3A_124 = arith.divsi %div3A, %div3A_123 : i32
      %rem3A_125 = arith.constant 255 : i32
      %rem3A_126 = arith.constant 2 : i32
      %rem3A_127 = arith.remsi %rem3A_125, %rem3A_126 : i32
      %rem3A_128 = arith.constant 4 : i32
      %rem3A_129 = arith.remsi %div3A_124, %rem3A_128 : i32
      %mul3A_130 = arith.constant 256 : i32
      %mul3A_131 = arith.muli %rem3A_129, %mul3A_130 : i32
      %multiple_of3A_132 = tpu.assume_multiple %mul3A_131, 256 : i32
      %mul3A_133 = arith.constant 96 : i32
      %mul3A_134 = arith.muli %rem3A_127, %mul3A_133 : i32
      %add3A_135 = arith.addi %multiple_of3A_132, %mul3A_134 : i32
      %rem3A_136 = arith.constant 255 : i32
      %rem3A_137 = arith.constant 2 : i32
      %rem3A_138 = arith.remsi %rem3A_136, %rem3A_137 : i32
      %dma_wait3A = arith.constant 0 : i32
      %dma_wait3A_139 = arith.constant 0 : i32
      %dma_wait3A_140 = tpu.memref_slice %arg10[%rem3A_138, %dma_wait3A, %dma_wait3A_139] : memref<2x104x128xf32, #tpu.memory_space<vmem>> -> memref<1x96x128xf32, #tpu.memory_space<vmem>>
      %dma_wait3A_141 = tpu.memref_squeeze %dma_wait3A_140 : memref<1x96x128xf32, #tpu.memory_space<vmem>> -> memref<96x128xf32, #tpu.memory_space<vmem>>
      %dma_wait3A_142 = tpu.memref_slice %arg8[%add3A_135] : memref<1024xi32, #tpu.memory_space<vmem>> -> memref<96xi32, #tpu.memory_space<vmem>>
      %dma_wait3A_143 = arith.constant 0 : i32
      %dma_wait3A_144 = arith.constant 0 : i32
      %dma_wait3A_145 = tpu.memref_slice %arg4[%dma_wait3A_143, %dma_wait3A_144] : memref<100000x128xf32, #tpu.memory_space<hbm>> -> memref<100000x128xf32, #tpu.memory_space<hbm>>
      tpu.wait_indirect_dma semaphore(%arg17 : memref<!tpu.dma_semaphore, #tpu.memory_space<semaphore_mem>>) src(%dma_wait3A_145 : memref<100000x128xf32, #tpu.memory_space<hbm>>) dst(%dma_wait3A_141 : memref<96x128xf32, #tpu.memory_space<vmem>>)
      %dma_wait3A_146 = arith.constant 0 : i32
      %dma_wait3A_147 = arith.constant 0 : i32
      %dma_wait3A_148 = tpu.memref_slice %arg11[%rem3A_138, %dma_wait3A_146, %dma_wait3A_147] : memref<2x104x128xf32, #tpu.memory_space<vmem>> -> memref<1x96x128xf32, #tpu.memory_space<vmem>>
      %dma_wait3A_149 = tpu.memref_squeeze %dma_wait3A_148 : memref<1x96x128xf32, #tpu.memory_space<vmem>> -> memref<96x128xf32, #tpu.memory_space<vmem>>
      %dma_wait3A_150 = tpu.memref_slice %arg9[%add3A_135] : memref<1024xi32, #tpu.memory_space<vmem>> -> memref<96xi32, #tpu.memory_space<vmem>>
      %dma_wait3A_151 = arith.constant 0 : i32
      %dma_wait3A_152 = arith.constant 0 : i32
      %dma_wait3A_153 = tpu.memref_slice %arg14[%dma_wait3A_151, %dma_wait3A_152] : memref<1000x128xf32, #tpu.memory_space<vmem_shared>> -> memref<1000x128xf32, #tpu.memory_space<vmem_shared>>
      tpu.wait_indirect_dma semaphore(%arg18 : memref<!tpu.dma_semaphore, #tpu.memory_space<semaphore_mem>>) src(%dma_wait3A_153 : memref<1000x128xf32, #tpu.memory_space<vmem_shared>>) dst(%dma_wait3A_149 : memref<96x128xf32, #tpu.memory_space<vmem>>)
    } else {
    }
    %rem3A_51 = arith.constant 255 : i32
    %rem3A_52 = arith.constant 2 : i32
    %rem3A_53 = arith.remsi %rem3A_51, %rem3A_52 : i32
    %eq3A_54 = arith.constant 1 : i32
    %eq3A_55 = arith.cmpi eq, %rem3A_53, %eq3A_54 : i32
    %convert_element_type3A_56 = arith.extui %eq3A_55 : i1 to i32
    %cond3A_57 = arith.constant 0 : i32
    %cond3A_58 = arith.cmpi ne, %convert_element_type3A_56, %cond3A_57 : i32
    scf.if %cond3A_58 {
      %div3A = arith.constant 255 : i32
      %div3A_123 = arith.constant 2 : i32
      %div3A_124 = arith.divsi %div3A, %div3A_123 : i32
      %rem3A_125 = arith.constant 255 : i32
      %rem3A_126 = arith.constant 2 : i32
      %rem3A_127 = arith.remsi %rem3A_125, %rem3A_126 : i32
      %rem3A_128 = arith.constant 4 : i32
      %rem3A_129 = arith.remsi %div3A_124, %rem3A_128 : i32
      %mul3A_130 = arith.constant 256 : i32
      %mul3A_131 = arith.muli %rem3A_129, %mul3A_130 : i32
      %multiple_of3A_132 = tpu.assume_multiple %mul3A_131, 256 : i32
      %mul3A_133 = arith.constant 96 : i32
      %mul3A_134 = arith.muli %rem3A_127, %mul3A_133 : i32
      %add3A_135 = arith.addi %multiple_of3A_132, %mul3A_134 : i32
      %rem3A_136 = arith.constant 255 : i32
      %rem3A_137 = arith.constant 2 : i32
      %rem3A_138 = arith.remsi %rem3A_136, %rem3A_137 : i32
      %dma_wait3A = arith.constant 0 : i32
      %dma_wait3A_139 = arith.constant 0 : i32
      %dma_wait3A_140 = tpu.memref_slice %arg10[%rem3A_138, %dma_wait3A, %dma_wait3A_139] : memref<2x104x128xf32, #tpu.memory_space<vmem>> -> memref<1x104x128xf32, #tpu.memory_space<vmem>>
      %dma_wait3A_141 = tpu.memref_squeeze %dma_wait3A_140 : memref<1x104x128xf32, #tpu.memory_space<vmem>> -> memref<104x128xf32, #tpu.memory_space<vmem>>
      %dma_wait3A_142 = tpu.memref_slice %arg8[%add3A_135] : memref<1024xi32, #tpu.memory_space<vmem>> -> memref<104xi32, #tpu.memory_space<vmem>>
      %dma_wait3A_143 = arith.constant 0 : i32
      %dma_wait3A_144 = arith.constant 0 : i32
      %dma_wait3A_145 = tpu.memref_slice %arg4[%dma_wait3A_143, %dma_wait3A_144] : memref<100000x128xf32, #tpu.memory_space<hbm>> -> memref<100000x128xf32, #tpu.memory_space<hbm>>
      tpu.wait_indirect_dma semaphore(%arg17 : memref<!tpu.dma_semaphore, #tpu.memory_space<semaphore_mem>>) src(%dma_wait3A_145 : memref<100000x128xf32, #tpu.memory_space<hbm>>) dst(%dma_wait3A_141 : memref<104x128xf32, #tpu.memory_space<vmem>>)
      %dma_wait3A_146 = arith.constant 0 : i32
      %dma_wait3A_147 = arith.constant 0 : i32
      %dma_wait3A_148 = tpu.memref_slice %arg11[%rem3A_138, %dma_wait3A_146, %dma_wait3A_147] : memref<2x104x128xf32, #tpu.memory_space<vmem>> -> memref<1x104x128xf32, #tpu.memory_space<vmem>>
      %dma_wait3A_149 = tpu.memref_squeeze %dma_wait3A_148 : memref<1x104x128xf32, #tpu.memory_space<vmem>> -> memref<104x128xf32, #tpu.memory_space<vmem>>
      %dma_wait3A_150 = tpu.memref_slice %arg9[%add3A_135] : memref<1024xi32, #tpu.memory_space<vmem>> -> memref<104xi32, #tpu.memory_space<vmem>>
      %dma_wait3A_151 = arith.constant 0 : i32
      %dma_wait3A_152 = arith.constant 0 : i32
      %dma_wait3A_153 = tpu.memref_slice %arg14[%dma_wait3A_151, %dma_wait3A_152] : memref<1000x128xf32, #tpu.memory_space<vmem_shared>> -> memref<1000x128xf32, #tpu.memory_space<vmem_shared>>
      tpu.wait_indirect_dma semaphore(%arg18 : memref<!tpu.dma_semaphore, #tpu.memory_space<semaphore_mem>>) src(%dma_wait3A_153 : memref<1000x128xf32, #tpu.memory_space<vmem_shared>>) dst(%dma_wait3A_149 : memref<104x128xf32, #tpu.memory_space<vmem>>)
    } else {
    }
    %rem3A_59 = arith.constant 255 : i32
    %rem3A_60 = arith.constant 2 : i32
    %rem3A_61 = arith.remsi %rem3A_59, %rem3A_60 : i32
    %eq3A_62 = arith.constant 0 : i32
    %eq3A_63 = arith.cmpi eq, %rem3A_61, %eq3A_62 : i32
    %convert_element_type3A_64 = arith.extui %eq3A_63 : i1 to i32
    %cond3A_65 = arith.constant 0 : i32
    %cond3A_66 = arith.cmpi ne, %convert_element_type3A_64, %cond3A_65 : i32
    scf.if %cond3A_66 {
      %rem3A_123 = arith.constant 255 : i32
      %rem3A_124 = arith.constant 2 : i32
      %rem3A_125 = arith.remsi %rem3A_123, %rem3A_124 : i32
      %scan3A_126 = arith.constant 0 : i32
      %scan3A_127 = arith.constant 0 : i32
      %scan3A_128 = arith.constant 96 : i32
      %scan3A_129 = arith.addi %scan3A_127, %scan3A_128 : i32
      %scan3A_130 = arith.constant 1 : i32
      scf.for %scan3A_132 = %scan3A_127 to %scan3A_129 step %scan3A_130  : i32 {
        %get3A = arith.index_cast %rem3A_125 : i32 to index
        %get3A_133 = arith.index_cast %scan3A_132 : i32 to index
        %get3A_134 = arith.constant 0 : index
        %get3A_135 = tpu.vector_load %arg10[%get3A, %get3A_133, %get3A_134] {strides = array<i32>} : memref<2x104x128xf32, #tpu.memory_space<vmem>>, vector<1x1x16xf32>,
        %get3A_136 = vector.shape_cast %get3A_135 : vector<1x1x16xf32> to vector<16xf32>
        %swap3A = arith.index_cast %rem3A_125 : i32 to index
        %swap3A_137 = arith.index_cast %scan3A_132 : i32 to index
        %swap3A_138 = arith.constant 0 : index
        %swap3A_139 = tpu.vector_load %arg12[%swap3A, %swap3A_137, %swap3A_138] {strides = array<i32>} : memref<2x104x64xf32, #tpu.memory_space<vmem>>, vector<1x1x16xf32>,
        %swap3A_140 = vector.shape_cast %swap3A_139 : vector<1x1x16xf32> to vector<16xf32>
        %swap3A_141 = vector.shape_cast %get3A_136 : vector<16xf32> to vector<1x1x16xf32>
        tpu.vector_store %arg12[%swap3A, %swap3A_137, %swap3A_138], %swap3A_141 {strides = array<i32>} : memref<2x104x64xf32, #tpu.memory_space<vmem>>, vector<1x1x16xf32>,
        %get3A_142 = arith.index_cast %rem3A_125 : i32 to index
        %get3A_143 = arith.index_cast %scan3A_132 : i32 to index
        %get3A_144 = arith.constant 0 : index
        %get3A_145 = tpu.vector_load %arg11[%get3A_142, %get3A_143, %get3A_144] {strides = array<i32>} : memref<2x104x128xf32, #tpu.memory_space<vmem>>, vector<1x1x16xf32>,
        %get3A_146 = vector.shape_cast %get3A_145 : vector<1x1x16xf32> to vector<16xf32>
        %swap3A_147 = arith.index_cast %rem3A_125 : i32 to index
        %swap3A_148 = arith.index_cast %scan3A_132 : i32 to index
        %swap3A_149 = arith.constant 0 : index
        %swap3A_150 = tpu.vector_load %arg13[%swap3A_147, %swap3A_148, %swap3A_149] {strides = array<i32>} : memref<2x104x64xf32, #tpu.memory_space<vmem>>, vector<1x1x16xf32>,
        %swap3A_151 = vector.shape_cast %swap3A_150 : vector<1x1x16xf32> to vector<16xf32>
        %swap3A_152 = vector.shape_cast %get3A_146 : vector<16xf32> to vector<1x1x16xf32>
        tpu.vector_store %arg13[%swap3A_147, %swap3A_148, %swap3A_149], %swap3A_152 {strides = array<i32>} : memref<2x104x64xf32, #tpu.memory_space<vmem>>, vector<1x1x16xf32>,
        %get3A_153 = arith.index_cast %rem3A_125 : i32 to index
        %get3A_154 = arith.index_cast %scan3A_132 : i32 to index
        %get3A_155 = arith.constant 16 : index
        %get3A_156 = tpu.vector_load %arg10[%get3A_153, %get3A_154, %get3A_155] {strides = array<i32>} : memref<2x104x128xf32, #tpu.memory_space<vmem>>, vector<1x1x16xf32>,
        %get3A_157 = vector.shape_cast %get3A_156 : vector<1x1x16xf32> to vector<16xf32>
        %swap3A_158 = arith.index_cast %rem3A_125 : i32 to index
        %swap3A_159 = arith.index_cast %scan3A_132 : i32 to index
        %swap3A_160 = arith.constant 16 : index
        %swap3A_161 = tpu.vector_load %arg12[%swap3A_158, %swap3A_159, %swap3A_160] {strides = array<i32>} : memref<2x104x64xf32, #tpu.memory_space<vmem>>, vector<1x1x16xf32>,
        %swap3A_162 = vector.shape_cast %swap3A_161 : vector<1x1x16xf32> to vector<16xf32>
        %swap3A_163 = vector.shape_cast %get3A_157 : vector<16xf32> to vector<1x1x16xf32>
        tpu.vector_store %arg12[%swap3A_158, %swap3A_159, %swap3A_160], %swap3A_163 {strides = array<i32>} : memref<2x104x64xf32, #tpu.memory_space<vmem>>, vector<1x1x16xf32>,
        %get3A_164 = arith.index_cast %rem3A_125 : i32 to index
        %get3A_165 = arith.index_cast %scan3A_132 : i32 to index
        %get3A_166 = arith.constant 16 : index
        %get3A_167 = tpu.vector_load %arg11[%get3A_164, %get3A_165, %get3A_166] {strides = array<i32>} : memref<2x104x128xf32, #tpu.memory_space<vmem>>, vector<1x1x16xf32>,
        %get3A_168 = vector.shape_cast %get3A_167 : vector<1x1x16xf32> to vector<16xf32>
        %swap3A_169 = arith.index_cast %rem3A_125 : i32 to index
        %swap3A_170 = arith.index_cast %scan3A_132 : i32 to index
        %swap3A_171 = arith.constant 16 : index
        %swap3A_172 = tpu.vector_load %arg13[%swap3A_169, %swap3A_170, %swap3A_171] {strides = array<i32>} : memref<2x104x64xf32, #tpu.memory_space<vmem>>, vector<1x1x16xf32>,
        %swap3A_173 = vector.shape_cast %swap3A_172 : vector<1x1x16xf32> to vector<16xf32>
        %swap3A_174 = vector.shape_cast %get3A_168 : vector<16xf32> to vector<1x1x16xf32>
        tpu.vector_store %arg13[%swap3A_169, %swap3A_170, %swap3A_171], %swap3A_174 {strides = array<i32>} : memref<2x104x64xf32, #tpu.memory_space<vmem>>, vector<1x1x16xf32>,
        %get3A_175 = arith.index_cast %rem3A_125 : i32 to index
        %get3A_176 = arith.index_cast %scan3A_132 : i32 to index
        %get3A_177 = arith.constant 32 : index
        %get3A_178 = tpu.vector_load %arg10[%get3A_175, %get3A_176, %get3A_177] {strides = array<i32>} : memref<2x104x128xf32, #tpu.memory_space<vmem>>, vector<1x1x16xf32>,
        %get3A_179 = vector.shape_cast %get3A_178 : vector<1x1x16xf32> to vector<16xf32>
        %swap3A_180 = arith.index_cast %rem3A_125 : i32 to index
        %swap3A_181 = arith.index_cast %scan3A_132 : i32 to index
        %swap3A_182 = arith.constant 32 : index
        %swap3A_183 = tpu.vector_load %arg12[%swap3A_180, %swap3A_181, %swap3A_182] {strides = array<i32>} : memref<2x104x64xf32, #tpu.memory_space<vmem>>, vector<1x1x16xf32>,
        %swap3A_184 = vector.shape_cast %swap3A_183 : vector<1x1x16xf32> to vector<16xf32>
        %swap3A_185 = vector.shape_cast %get3A_179 : vector<16xf32> to vector<1x1x16xf32>
        tpu.vector_store %arg12[%swap3A_180, %swap3A_181, %swap3A_182], %swap3A_185 {strides = array<i32>} : memref<2x104x64xf32, #tpu.memory_space<vmem>>, vector<1x1x16xf32>,
        %get3A_186 = arith.index_cast %rem3A_125 : i32 to index
        %get3A_187 = arith.index_cast %scan3A_132 : i32 to index
        %get3A_188 = arith.constant 32 : index
        %get3A_189 = tpu.vector_load %arg11[%get3A_186, %get3A_187, %get3A_188] {strides = array<i32>} : memref<2x104x128xf32, #tpu.memory_space<vmem>>, vector<1x1x16xf32>,
        %get3A_190 = vector.shape_cast %get3A_189 : vector<1x1x16xf32> to vector<16xf32>
        %swap3A_191 = arith.index_cast %rem3A_125 : i32 to index
        %swap3A_192 = arith.index_cast %scan3A_132 : i32 to index
        %swap3A_193 = arith.constant 32 : index
        %swap3A_194 = tpu.vector_load %arg13[%swap3A_191, %swap3A_192, %swap3A_193] {strides = array<i32>} : memref<2x104x64xf32, #tpu.memory_space<vmem>>, vector<1x1x16xf32>,
        %swap3A_195 = vector.shape_cast %swap3A_194 : vector<1x1x16xf32> to vector<16xf32>
        %swap3A_196 = vector.shape_cast %get3A_190 : vector<16xf32> to vector<1x1x16xf32>
        tpu.vector_store %arg13[%swap3A_191, %swap3A_192, %swap3A_193], %swap3A_196 {strides = array<i32>} : memref<2x104x64xf32, #tpu.memory_space<vmem>>, vector<1x1x16xf32>,
        %get3A_197 = arith.index_cast %rem3A_125 : i32 to index
        %get3A_198 = arith.index_cast %scan3A_132 : i32 to index
        %get3A_199 = arith.constant 48 : index
        %get3A_200 = tpu.vector_load %arg10[%get3A_197, %get3A_198, %get3A_199] {strides = array<i32>} : memref<2x104x128xf32, #tpu.memory_space<vmem>>, vector<1x1x16xf32>,
        %get3A_201 = vector.shape_cast %get3A_200 : vector<1x1x16xf32> to vector<16xf32>
        %swap3A_202 = arith.index_cast %rem3A_125 : i32 to index
        %swap3A_203 = arith.index_cast %scan3A_132 : i32 to index
        %swap3A_204 = arith.constant 48 : index
        %swap3A_205 = tpu.vector_load %arg12[%swap3A_202, %swap3A_203, %swap3A_204] {strides = array<i32>} : memref<2x104x64xf32, #tpu.memory_space<vmem>>, vector<1x1x16xf32>,
        %swap3A_206 = vector.shape_cast %swap3A_205 : vector<1x1x16xf32> to vector<16xf32>
        %swap3A_207 = vector.shape_cast %get3A_201 : vector<16xf32> to vector<1x1x16xf32>
        tpu.vector_store %arg12[%swap3A_202, %swap3A_203, %swap3A_204], %swap3A_207 {strides = array<i32>} : memref<2x104x64xf32, #tpu.memory_space<vmem>>, vector<1x1x16xf32>,
        %get3A_208 = arith.index_cast %rem3A_125 : i32 to index
        %get3A_209 = arith.index_cast %scan3A_132 : i32 to index
        %get3A_210 = arith.constant 48 : index
        %get3A_211 = tpu.vector_load %arg11[%get3A_208, %get3A_209, %get3A_210] {strides = array<i32>} : memref<2x104x128xf32, #tpu.memory_space<vmem>>, vector<1x1x16xf32>,
        %get3A_212 = vector.shape_cast %get3A_211 : vector<1x1x16xf32> to vector<16xf32>
        %swap3A_213 = arith.index_cast %rem3A_125 : i32 to index
        %swap3A_214 = arith.index_cast %scan3A_132 : i32 to index
        %swap3A_215 = arith.constant 48 : index
        %swap3A_216 = tpu.vector_load %arg13[%swap3A_213, %swap3A_214, %swap3A_215] {strides = array<i32>} : memref<2x104x64xf32, #tpu.memory_space<vmem>>, vector<1x1x16xf32>,
        %swap3A_217 = vector.shape_cast %swap3A_216 : vector<1x1x16xf32> to vector<16xf32>
        %swap3A_218 = vector.shape_cast %get3A_212 : vector<16xf32> to vector<1x1x16xf32>
        tpu.vector_store %arg13[%swap3A_213, %swap3A_214, %swap3A_215], %swap3A_218 {strides = array<i32>} : memref<2x104x64xf32, #tpu.memory_space<vmem>>, vector<1x1x16xf32>,
      }
      %scan3A_131 = arith.constant 96 : i32
    } else {
    }
    %rem3A_67 = arith.constant 255 : i32
    %rem3A_68 = arith.constant 2 : i32
    %rem3A_69 = arith.remsi %rem3A_67, %rem3A_68 : i32
    %eq3A_70 = arith.constant 1 : i32
    %eq3A_71 = arith.cmpi eq, %rem3A_69, %eq3A_70 : i32
    %convert_element_type3A_72 = arith.extui %eq3A_71 : i1 to i32
    %cond3A_73 = arith.constant 0 : i32
    %cond3A_74 = arith.cmpi ne, %convert_element_type3A_72, %cond3A_73 : i32
    scf.if %cond3A_74 {
      %rem3A_123 = arith.constant 255 : i32
      %rem3A_124 = arith.constant 2 : i32
      %rem3A_125 = arith.remsi %rem3A_123, %rem3A_124 : i32
      %scan3A_126 = arith.constant 0 : i32
      %scan3A_127 = arith.constant 0 : i32
      %scan3A_128 = arith.constant 104 : i32
      %scan3A_129 = arith.addi %scan3A_127, %scan3A_128 : i32
      %scan3A_130 = arith.constant 1 : i32
      scf.for %scan3A_132 = %scan3A_127 to %scan3A_129 step %scan3A_130  : i32 {
        %get3A = arith.index_cast %rem3A_125 : i32 to index
        %get3A_133 = arith.index_cast %scan3A_132 : i32 to index
        %get3A_134 = arith.constant 0 : index
        %get3A_135 = tpu.vector_load %arg10[%get3A, %get3A_133, %get3A_134] {strides = array<i32>} : memref<2x104x128xf32, #tpu.memory_space<vmem>>, vector<1x1x16xf32>,
        %get3A_136 = vector.shape_cast %get3A_135 : vector<1x1x16xf32> to vector<16xf32>
        %swap3A = arith.index_cast %rem3A_125 : i32 to index
        %swap3A_137 = arith.index_cast %scan3A_132 : i32 to index
        %swap3A_138 = arith.constant 0 : index
        %swap3A_139 = tpu.vector_load %arg12[%swap3A, %swap3A_137, %swap3A_138] {strides = array<i32>} : memref<2x104x64xf32, #tpu.memory_space<vmem>>, vector<1x1x16xf32>,
        %swap3A_140 = vector.shape_cast %swap3A_139 : vector<1x1x16xf32> to vector<16xf32>
        %swap3A_141 = vector.shape_cast %get3A_136 : vector<16xf32> to vector<1x1x16xf32>
        tpu.vector_store %arg12[%swap3A, %swap3A_137, %swap3A_138], %swap3A_141 {strides = array<i32>} : memref<2x104x64xf32, #tpu.memory_space<vmem>>, vector<1x1x16xf32>,
        %get3A_142 = arith.index_cast %rem3A_125 : i32 to index
        %get3A_143 = arith.index_cast %scan3A_132 : i32 to index
        %get3A_144 = arith.constant 0 : index
        %get3A_145 = tpu.vector_load %arg11[%get3A_142, %get3A_143, %get3A_144] {strides = array<i32>} : memref<2x104x128xf32, #tpu.memory_space<vmem>>, vector<1x1x16xf32>,
        %get3A_146 = vector.shape_cast %get3A_145 : vector<1x1x16xf32> to vector<16xf32>
        %swap3A_147 = arith.index_cast %rem3A_125 : i32 to index
        %swap3A_148 = arith.index_cast %scan3A_132 : i32 to index
        %swap3A_149 = arith.constant 0 : index
        %swap3A_150 = tpu.vector_load %arg13[%swap3A_147, %swap3A_148, %swap3A_149] {strides = array<i32>} : memref<2x104x64xf32, #tpu.memory_space<vmem>>, vector<1x1x16xf32>,
        %swap3A_151 = vector.shape_cast %swap3A_150 : vector<1x1x16xf32> to vector<16xf32>
        %swap3A_152 = vector.shape_cast %get3A_146 : vector<16xf32> to vector<1x1x16xf32>
        tpu.vector_store %arg13[%swap3A_147, %swap3A_148, %swap3A_149], %swap3A_152 {strides = array<i32>} : memref<2x104x64xf32, #tpu.memory_space<vmem>>, vector<1x1x16xf32>,
        %get3A_153 = arith.index_cast %rem3A_125 : i32 to index
        %get3A_154 = arith.index_cast %scan3A_132 : i32 to index
        %get3A_155 = arith.constant 16 : index
        %get3A_156 = tpu.vector_load %arg10[%get3A_153, %get3A_154, %get3A_155] {strides = array<i32>} : memref<2x104x128xf32, #tpu.memory_space<vmem>>, vector<1x1x16xf32>,
        %get3A_157 = vector.shape_cast %get3A_156 : vector<1x1x16xf32> to vector<16xf32>
        %swap3A_158 = arith.index_cast %rem3A_125 : i32 to index
        %swap3A_159 = arith.index_cast %scan3A_132 : i32 to index
        %swap3A_160 = arith.constant 16 : index
        %swap3A_161 = tpu.vector_load %arg12[%swap3A_158, %swap3A_159, %swap3A_160] {strides = array<i32>} : memref<2x104x64xf32, #tpu.memory_space<vmem>>, vector<1x1x16xf32>,
        %swap3A_162 = vector.shape_cast %swap3A_161 : vector<1x1x16xf32> to vector<16xf32>
        %swap3A_163 = vector.shape_cast %get3A_157 : vector<16xf32> to vector<1x1x16xf32>
        tpu.vector_store %arg12[%swap3A_158, %swap3A_159, %swap3A_160], %swap3A_163 {strides = array<i32>} : memref<2x104x64xf32, #tpu.memory_space<vmem>>, vector<1x1x16xf32>,
        %get3A_164 = arith.index_cast %rem3A_125 : i32 to index
        %get3A_165 = arith.index_cast %scan3A_132 : i32 to index
        %get3A_166 = arith.constant 16 : index
        %get3A_167 = tpu.vector_load %arg11[%get3A_164, %get3A_165, %get3A_166] {strides = array<i32>} : memref<2x104x128xf32, #tpu.memory_space<vmem>>, vector<1x1x16xf32>,
        %get3A_168 = vector.shape_cast %get3A_167 : vector<1x1x16xf32> to vector<16xf32>
        %swap3A_169 = arith.index_cast %rem3A_125 : i32 to index
        %swap3A_170 = arith.index_cast %scan3A_132 : i32 to index
        %swap3A_171 = arith.constant 16 : index
        %swap3A_172 = tpu.vector_load %arg13[%swap3A_169, %swap3A_170, %swap3A_171] {strides = array<i32>} : memref<2x104x64xf32, #tpu.memory_space<vmem>>, vector<1x1x16xf32>,
        %swap3A_173 = vector.shape_cast %swap3A_172 : vector<1x1x16xf32> to vector<16xf32>
        %swap3A_174 = vector.shape_cast %get3A_168 : vector<16xf32> to vector<1x1x16xf32>
        tpu.vector_store %arg13[%swap3A_169, %swap3A_170, %swap3A_171], %swap3A_174 {strides = array<i32>} : memref<2x104x64xf32, #tpu.memory_space<vmem>>, vector<1x1x16xf32>,
        %get3A_175 = arith.index_cast %rem3A_125 : i32 to index
        %get3A_176 = arith.index_cast %scan3A_132 : i32 to index
        %get3A_177 = arith.constant 32 : index
        %get3A_178 = tpu.vector_load %arg10[%get3A_175, %get3A_176, %get3A_177] {strides = array<i32>} : memref<2x104x128xf32, #tpu.memory_space<vmem>>, vector<1x1x16xf32>,
        %get3A_179 = vector.shape_cast %get3A_178 : vector<1x1x16xf32> to vector<16xf32>
        %swap3A_180 = arith.index_cast %rem3A_125 : i32 to index
        %swap3A_181 = arith.index_cast %scan3A_132 : i32 to index
        %swap3A_182 = arith.constant 32 : index
        %swap3A_183 = tpu.vector_load %arg12[%swap3A_180, %swap3A_181, %swap3A_182] {strides = array<i32>} : memref<2x104x64xf32, #tpu.memory_space<vmem>>, vector<1x1x16xf32>,
        %swap3A_184 = vector.shape_cast %swap3A_183 : vector<1x1x16xf32> to vector<16xf32>
        %swap3A_185 = vector.shape_cast %get3A_179 : vector<16xf32> to vector<1x1x16xf32>
        tpu.vector_store %arg12[%swap3A_180, %swap3A_181, %swap3A_182], %swap3A_185 {strides = array<i32>} : memref<2x104x64xf32, #tpu.memory_space<vmem>>, vector<1x1x16xf32>,
        %get3A_186 = arith.index_cast %rem3A_125 : i32 to index
        %get3A_187 = arith.index_cast %scan3A_132 : i32 to index
        %get3A_188 = arith.constant 32 : index
        %get3A_189 = tpu.vector_load %arg11[%get3A_186, %get3A_187, %get3A_188] {strides = array<i32>} : memref<2x104x128xf32, #tpu.memory_space<vmem>>, vector<1x1x16xf32>,
        %get3A_190 = vector.shape_cast %get3A_189 : vector<1x1x16xf32> to vector<16xf32>
        %swap3A_191 = arith.index_cast %rem3A_125 : i32 to index
        %swap3A_192 = arith.index_cast %scan3A_132 : i32 to index
        %swap3A_193 = arith.constant 32 : index
        %swap3A_194 = tpu.vector_load %arg13[%swap3A_191, %swap3A_192, %swap3A_193] {strides = array<i32>} : memref<2x104x64xf32, #tpu.memory_space<vmem>>, vector<1x1x16xf32>,
        %swap3A_195 = vector.shape_cast %swap3A_194 : vector<1x1x16xf32> to vector<16xf32>
        %swap3A_196 = vector.shape_cast %get3A_190 : vector<16xf32> to vector<1x1x16xf32>
        tpu.vector_store %arg13[%swap3A_191, %swap3A_192, %swap3A_193], %swap3A_196 {strides = array<i32>} : memref<2x104x64xf32, #tpu.memory_space<vmem>>, vector<1x1x16xf32>,
        %get3A_197 = arith.index_cast %rem3A_125 : i32 to index
        %get3A_198 = arith.index_cast %scan3A_132 : i32 to index
        %get3A_199 = arith.constant 48 : index
        %get3A_200 = tpu.vector_load %arg10[%get3A_197, %get3A_198, %get3A_199] {strides = array<i32>} : memref<2x104x128xf32, #tpu.memory_space<vmem>>, vector<1x1x16xf32>,
        %get3A_201 = vector.shape_cast %get3A_200 : vector<1x1x16xf32> to vector<16xf32>
        %swap3A_202 = arith.index_cast %rem3A_125 : i32 to index
        %swap3A_203 = arith.index_cast %scan3A_132 : i32 to index
        %swap3A_204 = arith.constant 48 : index
        %swap3A_205 = tpu.vector_load %arg12[%swap3A_202, %swap3A_203, %swap3A_204] {strides = array<i32>} : memref<2x104x64xf32, #tpu.memory_space<vmem>>, vector<1x1x16xf32>,
        %swap3A_206 = vector.shape_cast %swap3A_205 : vector<1x1x16xf32> to vector<16xf32>
        %swap3A_207 = vector.shape_cast %get3A_201 : vector<16xf32> to vector<1x1x16xf32>
        tpu.vector_store %arg12[%swap3A_202, %swap3A_203, %swap3A_204], %swap3A_207 {strides = array<i32>} : memref<2x104x64xf32, #tpu.memory_space<vmem>>, vector<1x1x16xf32>,
        %get3A_208 = arith.index_cast %rem3A_125 : i32 to index
        %get3A_209 = arith.index_cast %scan3A_132 : i32 to index
        %get3A_210 = arith.constant 48 : index
        %get3A_211 = tpu.vector_load %arg11[%get3A_208, %get3A_209, %get3A_210] {strides = array<i32>} : memref<2x104x128xf32, #tpu.memory_space<vmem>>, vector<1x1x16xf32>,
        %get3A_212 = vector.shape_cast %get3A_211 : vector<1x1x16xf32> to vector<16xf32>
        %swap3A_213 = arith.index_cast %rem3A_125 : i32 to index
        %swap3A_214 = arith.index_cast %scan3A_132 : i32 to index
        %swap3A_215 = arith.constant 48 : index
        %swap3A_216 = tpu.vector_load %arg13[%swap3A_213, %swap3A_214, %swap3A_215] {strides = array<i32>} : memref<2x104x64xf32, #tpu.memory_space<vmem>>, vector<1x1x16xf32>,
        %swap3A_217 = vector.shape_cast %swap3A_216 : vector<1x1x16xf32> to vector<16xf32>
        %swap3A_218 = vector.shape_cast %get3A_212 : vector<16xf32> to vector<1x1x16xf32>
        tpu.vector_store %arg13[%swap3A_213, %swap3A_214, %swap3A_215], %swap3A_218 {strides = array<i32>} : memref<2x104x64xf32, #tpu.memory_space<vmem>>, vector<1x1x16xf32>,
      }
      %scan3A_131 = arith.constant 104 : i32
    } else {
    }
    %rem3A_75 = arith.constant 255 : i32
    %rem3A_76 = arith.constant 2 : i32
    %rem3A_77 = arith.remsi %rem3A_75, %rem3A_76 : i32
    %eq3A_78 = arith.constant 0 : i32
    %eq3A_79 = arith.cmpi eq, %rem3A_77, %eq3A_78 : i32
    %convert_element_type3A_80 = arith.extui %eq3A_79 : i1 to i32
    %cond3A_81 = arith.constant 0 : i32
    %cond3A_82 = arith.cmpi ne, %convert_element_type3A_80, %cond3A_81 : i32
    scf.if %cond3A_82 {
      %div3A = arith.constant 255 : i32
      %div3A_123 = arith.constant 2 : i32
      %div3A_124 = arith.divsi %div3A, %div3A_123 : i32
      %rem3A_125 = arith.constant 255 : i32
      %rem3A_126 = arith.constant 2 : i32
      %rem3A_127 = arith.remsi %rem3A_125, %rem3A_126 : i32
      %rem3A_128 = arith.constant 255 : i32
      %rem3A_129 = arith.constant 2 : i32
      %rem3A_130 = arith.remsi %rem3A_128, %rem3A_129 : i32
      %add3A_131 = arith.addi %mul3A_2, %div3A_124 : i32
      %mul3A_132 = arith.constant 200 : i32
      %mul3A_133 = arith.muli %add3A_131, %mul3A_132 : i32
      %mul3A_134 = arith.constant 96 : i32
      %mul3A_135 = arith.muli %rem3A_127, %mul3A_134 : i32
      %add3A_136 = arith.addi %mul3A_133, %mul3A_135 : i32
      %dma_start3A_137 = arith.constant 0 : i32
      %dma_start3A_138 = arith.constant 0 : i32
      %dma_start3A_139 = tpu.memref_slice %arg12[%rem3A_130, %dma_start3A_137, %dma_start3A_138] : memref<2x104x64xf32, #tpu.memory_space<vmem>> -> memref<1x96x64xf32, #tpu.memory_space<vmem>>
      %dma_start3A_140 = tpu.memref_squeeze %dma_start3A_139 : memref<1x96x64xf32, #tpu.memory_space<vmem>> -> memref<96x64xf32, #tpu.memory_space<vmem>>
      %dma_start3A_141 = arith.constant 0 : i32
      %dma_start3A_142 = tpu.memref_slice %arg7[%add3A_136, %dma_start3A_141] : memref<819200x64xf32, #tpu.memory_space<hbm>> -> memref<96x64xf32, #tpu.memory_space<hbm>>
      %dma_start3A_143 = arith.constant 0 : i32
      %dma_start3A_144 = tpu.memref_slice %arg7[%add3A_136, %dma_start3A_143] : memref<819200x64xf32, #tpu.memory_space<hbm>> -> memref<96x64xf32, #tpu.memory_space<hbm>>
      %dma_start3A_145 = arith.constant 0 : i32
      %dma_start3A_146 = arith.constant 0 : i32
      %dma_start3A_147 = tpu.memref_slice %arg12[%rem3A_130, %dma_start3A_145, %dma_start3A_146] : memref<2x104x64xf32, #tpu.memory_space<vmem>> -> memref<1x96x64xf32, #tpu.memory_space<vmem>>
      %dma_start3A_148 = tpu.memref_squeeze %dma_start3A_147 : memref<1x96x64xf32, #tpu.memory_space<vmem>> -> memref<96x64xf32, #tpu.memory_space<vmem>>
      tpu.enqueue_dma source(%dma_start3A_148 : memref<96x64xf32, #tpu.memory_space<vmem>>) target(%dma_start3A_144 : memref<96x64xf32, #tpu.memory_space<hbm>>) target_semaphore(%arg19 : memref<!tpu.dma_semaphore, #tpu.memory_space<semaphore_mem>>)
      %dma_start3A_149 = arith.constant 0 : i32
      %dma_start3A_150 = arith.constant 0 : i32
      %dma_start3A_151 = tpu.memref_slice %arg13[%rem3A_130, %dma_start3A_149, %dma_start3A_150] : memref<2x104x64xf32, #tpu.memory_space<vmem>> -> memref<1x96x64xf32, #tpu.memory_space<vmem>>
      %dma_start3A_152 = tpu.memref_squeeze %dma_start3A_151 : memref<1x96x64xf32, #tpu.memory_space<vmem>> -> memref<96x64xf32, #tpu.memory_space<vmem>>
      %dma_start3A_153 = arith.constant 0 : i32
      %dma_start3A_154 = tpu.memref_slice %arg6[%add3A_136, %dma_start3A_153] : memref<819200x64xf32, #tpu.memory_space<hbm>> -> memref<96x64xf32, #tpu.memory_space<hbm>>
      %dma_start3A_155 = arith.constant 0 : i32
      %dma_start3A_156 = tpu.memref_slice %arg6[%add3A_136, %dma_start3A_155] : memref<819200x64xf32, #tpu.memory_space<hbm>> -> memref<96x64xf32, #tpu.memory_space<hbm>>
      %dma_start3A_157 = arith.constant 0 : i32
      %dma_start3A_158 = arith.constant 0 : i32
      %dma_start3A_159 = tpu.memref_slice %arg13[%rem3A_130, %dma_start3A_157, %dma_start3A_158] : memref<2x104x64xf32, #tpu.memory_space<vmem>> -> memref<1x96x64xf32, #tpu.memory_space<vmem>>
      %dma_start3A_160 = tpu.memref_squeeze %dma_start3A_159 : memref<1x96x64xf32, #tpu.memory_space<vmem>> -> memref<96x64xf32, #tpu.memory_space<vmem>>
      tpu.enqueue_dma source(%dma_start3A_160 : memref<96x64xf32, #tpu.memory_space<vmem>>) target(%dma_start3A_156 : memref<96x64xf32, #tpu.memory_space<hbm>>) target_semaphore(%arg20 : memref<!tpu.dma_semaphore, #tpu.memory_space<semaphore_mem>>)
    } else {
    }
    %rem3A_83 = arith.constant 255 : i32
    %rem3A_84 = arith.constant 2 : i32
    %rem3A_85 = arith.remsi %rem3A_83, %rem3A_84 : i32
    %eq3A_86 = arith.constant 1 : i32
    %eq3A_87 = arith.cmpi eq, %rem3A_85, %eq3A_86 : i32
    %convert_element_type3A_88 = arith.extui %eq3A_87 : i1 to i32
    %cond3A_89 = arith.constant 0 : i32
    %cond3A_90 = arith.cmpi ne, %convert_element_type3A_88, %cond3A_89 : i32
    scf.if %cond3A_90 {
      %div3A = arith.constant 255 : i32
      %div3A_123 = arith.constant 2 : i32
      %div3A_124 = arith.divsi %div3A, %div3A_123 : i32
      %rem3A_125 = arith.constant 255 : i32
      %rem3A_126 = arith.constant 2 : i32
      %rem3A_127 = arith.remsi %rem3A_125, %rem3A_126 : i32
      %rem3A_128 = arith.constant 255 : i32
      %rem3A_129 = arith.constant 2 : i32
      %rem3A_130 = arith.remsi %rem3A_128, %rem3A_129 : i32
      %add3A_131 = arith.addi %mul3A_2, %div3A_124 : i32
      %mul3A_132 = arith.constant 200 : i32
      %mul3A_133 = arith.muli %add3A_131, %mul3A_132 : i32
      %mul3A_134 = arith.constant 96 : i32
      %mul3A_135 = arith.muli %rem3A_127, %mul3A_134 : i32
      %add3A_136 = arith.addi %mul3A_133, %mul3A_135 : i32
      %dma_start3A_137 = arith.constant 0 : i32
      %dma_start3A_138 = arith.constant 0 : i32
      %dma_start3A_139 = tpu.memref_slice %arg12[%rem3A_130, %dma_start3A_137, %dma_start3A_138] : memref<2x104x64xf32, #tpu.memory_space<vmem>> -> memref<1x104x64xf32, #tpu.memory_space<vmem>>
      %dma_start3A_140 = tpu.memref_squeeze %dma_start3A_139 : memref<1x104x64xf32, #tpu.memory_space<vmem>> -> memref<104x64xf32, #tpu.memory_space<vmem>>
      %dma_start3A_141 = arith.constant 0 : i32
      %dma_start3A_142 = tpu.memref_slice %arg7[%add3A_136, %dma_start3A_141] : memref<819200x64xf32, #tpu.memory_space<hbm>> -> memref<104x64xf32, #tpu.memory_space<hbm>>
      %dma_start3A_143 = arith.constant 0 : i32
      %dma_start3A_144 = tpu.memref_slice %arg7[%add3A_136, %dma_start3A_143] : memref<819200x64xf32, #tpu.memory_space<hbm>> -> memref<104x64xf32, #tpu.memory_space<hbm>>
      %dma_start3A_145 = arith.constant 0 : i32
      %dma_start3A_146 = arith.constant 0 : i32
      %dma_start3A_147 = tpu.memref_slice %arg12[%rem3A_130, %dma_start3A_145, %dma_start3A_146] : memref<2x104x64xf32, #tpu.memory_space<vmem>> -> memref<1x104x64xf32, #tpu.memory_space<vmem>>
      %dma_start3A_148 = tpu.memref_squeeze %dma_start3A_147 : memref<1x104x64xf32, #tpu.memory_space<vmem>> -> memref<104x64xf32, #tpu.memory_space<vmem>>
      tpu.enqueue_dma source(%dma_start3A_148 : memref<104x64xf32, #tpu.memory_space<vmem>>) target(%dma_start3A_144 : memref<104x64xf32, #tpu.memory_space<hbm>>) target_semaphore(%arg19 : memref<!tpu.dma_semaphore, #tpu.memory_space<semaphore_mem>>)
      %dma_start3A_149 = arith.constant 0 : i32
      %dma_start3A_150 = arith.constant 0 : i32
      %dma_start3A_151 = tpu.memref_slice %arg13[%rem3A_130, %dma_start3A_149, %dma_start3A_150] : memref<2x104x64xf32, #tpu.memory_space<vmem>> -> memref<1x104x64xf32, #tpu.memory_space<vmem>>
      %dma_start3A_152 = tpu.memref_squeeze %dma_start3A_151 : memref<1x104x64xf32, #tpu.memory_space<vmem>> -> memref<104x64xf32, #tpu.memory_space<vmem>>
      %dma_start3A_153 = arith.constant 0 : i32
      %dma_start3A_154 = tpu.memref_slice %arg6[%add3A_136, %dma_start3A_153] : memref<819200x64xf32, #tpu.memory_space<hbm>> -> memref<104x64xf32, #tpu.memory_space<hbm>>
      %dma_start3A_155 = arith.constant 0 : i32
      %dma_start3A_156 = tpu.memref_slice %arg6[%add3A_136, %dma_start3A_155] : memref<819200x64xf32, #tpu.memory_space<hbm>> -> memref<104x64xf32, #tpu.memory_space<hbm>>
      %dma_start3A_157 = arith.constant 0 : i32
      %dma_start3A_158 = arith.constant 0 : i32
      %dma_start3A_159 = tpu.memref_slice %arg13[%rem3A_130, %dma_start3A_157, %dma_start3A_158] : memref<2x104x64xf32, #tpu.memory_space<vmem>> -> memref<1x104x64xf32, #tpu.memory_space<vmem>>
      %dma_start3A_160 = tpu.memref_squeeze %dma_start3A_159 : memref<1x104x64xf32, #tpu.memory_space<vmem>> -> memref<104x64xf32, #tpu.memory_space<vmem>>
      tpu.enqueue_dma source(%dma_start3A_160 : memref<104x64xf32, #tpu.memory_space<vmem>>) target(%dma_start3A_156 : memref<104x64xf32, #tpu.memory_space<hbm>>) target_semaphore(%arg20 : memref<!tpu.dma_semaphore, #tpu.memory_space<semaphore_mem>>)
    } else {
    }
    %rem3A_91 = arith.constant 254 : i32
    %rem3A_92 = arith.constant 2 : i32
    %rem3A_93 = arith.remsi %rem3A_91, %rem3A_92 : i32
    %eq3A_94 = arith.constant 0 : i32
    %eq3A_95 = arith.cmpi eq, %rem3A_93, %eq3A_94 : i32
    %convert_element_type3A_96 = arith.extui %eq3A_95 : i1 to i32
    %cond3A_97 = arith.constant 0 : i32
    %cond3A_98 = arith.cmpi ne, %convert_element_type3A_96, %cond3A_97 : i32
    scf.if %cond3A_98 {
      %div3A = arith.constant 254 : i32
      %div3A_123 = arith.constant 2 : i32
      %div3A_124 = arith.divsi %div3A, %div3A_123 : i32
      %rem3A_125 = arith.constant 254 : i32
      %rem3A_126 = arith.constant 2 : i32
      %rem3A_127 = arith.remsi %rem3A_125, %rem3A_126 : i32
      %rem3A_128 = arith.constant 254 : i32
      %rem3A_129 = arith.constant 2 : i32
      %rem3A_130 = arith.remsi %rem3A_128, %rem3A_129 : i32
      %add3A_131 = arith.addi %mul3A_2, %div3A_124 : i32
      %mul3A_132 = arith.constant 200 : i32
      %mul3A_133 = arith.muli %add3A_131, %mul3A_132 : i32
      %mul3A_134 = arith.constant 96 : i32
      %mul3A_135 = arith.muli %rem3A_127, %mul3A_134 : i32
      %add3A_136 = arith.addi %mul3A_133, %mul3A_135 : i32
      %dma_wait3A = arith.constant 0 : i32
      %dma_wait3A_137 = arith.constant 0 : i32
      %dma_wait3A_138 = tpu.memref_slice %arg12[%rem3A_130, %dma_wait3A, %dma_wait3A_137] : memref<2x104x64xf32, #tpu.memory_space<vmem>> -> memref<1x96x64xf32, #tpu.memory_space<vmem>>
      %dma_wait3A_139 = tpu.memref_squeeze %dma_wait3A_138 : memref<1x96x64xf32, #tpu.memory_space<vmem>> -> memref<96x64xf32, #tpu.memory_space<vmem>>
      %dma_wait3A_140 = arith.constant 0 : i32
      %dma_wait3A_141 = tpu.memref_slice %arg7[%add3A_136, %dma_wait3A_140] : memref<819200x64xf32, #tpu.memory_space<hbm>> -> memref<96x64xf32, #tpu.memory_space<hbm>>
      %dma_wait3A_142 = arith.constant 0 : i32
      %dma_wait3A_143 = tpu.memref_slice %arg7[%add3A_136, %dma_wait3A_142] : memref<819200x64xf32, #tpu.memory_space<hbm>> -> memref<96x64xf32, #tpu.memory_space<hbm>>
      %dma_wait3A_144 = arith.constant 0 : i32
      %dma_wait3A_145 = arith.constant 0 : i32
      %dma_wait3A_146 = tpu.memref_slice %arg12[%rem3A_130, %dma_wait3A_144, %dma_wait3A_145] : memref<2x104x64xf32, #tpu.memory_space<vmem>> -> memref<1x96x64xf32, #tpu.memory_space<vmem>>
      %dma_wait3A_147 = tpu.memref_squeeze %dma_wait3A_146 : memref<1x96x64xf32, #tpu.memory_space<vmem>> -> memref<96x64xf32, #tpu.memory_space<vmem>>
      tpu.wait_dma2 semaphore(%arg19 : memref<!tpu.dma_semaphore, #tpu.memory_space<semaphore_mem>>) src(%dma_wait3A_147 : memref<96x64xf32, #tpu.memory_space<vmem>>) dst(%dma_wait3A_143 : memref<96x64xf32, #tpu.memory_space<hbm>>)
      %dma_wait3A_148 = arith.constant 0 : i32
      %dma_wait3A_149 = arith.constant 0 : i32
      %dma_wait3A_150 = tpu.memref_slice %arg13[%rem3A_130, %dma_wait3A_148, %dma_wait3A_149] : memref<2x104x64xf32, #tpu.memory_space<vmem>> -> memref<1x96x64xf32, #tpu.memory_space<vmem>>
      %dma_wait3A_151 = tpu.memref_squeeze %dma_wait3A_150 : memref<1x96x64xf32, #tpu.memory_space<vmem>> -> memref<96x64xf32, #tpu.memory_space<vmem>>
      %dma_wait3A_152 = arith.constant 0 : i32
      %dma_wait3A_153 = tpu.memref_slice %arg6[%add3A_136, %dma_wait3A_152] : memref<819200x64xf32, #tpu.memory_space<hbm>> -> memref<96x64xf32, #tpu.memory_space<hbm>>
      %dma_wait3A_154 = arith.constant 0 : i32
      %dma_wait3A_155 = tpu.memref_slice %arg6[%add3A_136, %dma_wait3A_154] : memref<819200x64xf32, #tpu.memory_space<hbm>> -> memref<96x64xf32, #tpu.memory_space<hbm>>
      %dma_wait3A_156 = arith.constant 0 : i32
      %dma_wait3A_157 = arith.constant 0 : i32
      %dma_wait3A_158 = tpu.memref_slice %arg13[%rem3A_130, %dma_wait3A_156, %dma_wait3A_157] : memref<2x104x64xf32, #tpu.memory_space<vmem>> -> memref<1x96x64xf32, #tpu.memory_space<vmem>>
      %dma_wait3A_159 = tpu.memref_squeeze %dma_wait3A_158 : memref<1x96x64xf32, #tpu.memory_space<vmem>> -> memref<96x64xf32, #tpu.memory_space<vmem>>
      tpu.wait_dma2 semaphore(%arg20 : memref<!tpu.dma_semaphore, #tpu.memory_space<semaphore_mem>>) src(%dma_wait3A_159 : memref<96x64xf32, #tpu.memory_space<vmem>>) dst(%dma_wait3A_155 : memref<96x64xf32, #tpu.memory_space<hbm>>)
    } else {
    }
    %rem3A_99 = arith.constant 254 : i32
    %rem3A_100 = arith.constant 2 : i32
    %rem3A_101 = arith.remsi %rem3A_99, %rem3A_100 : i32
    %eq3A_102 = arith.constant 1 : i32
    %eq3A_103 = arith.cmpi eq, %rem3A_101, %eq3A_102 : i32
    %convert_element_type3A_104 = arith.extui %eq3A_103 : i1 to i32
    %cond3A_105 = arith.constant 0 : i32
    %cond3A_106 = arith.cmpi ne, %convert_element_type3A_104, %cond3A_105 : i32
    scf.if %cond3A_106 {
      %div3A = arith.constant 254 : i32
      %div3A_123 = arith.constant 2 : i32
      %div3A_124 = arith.divsi %div3A, %div3A_123 : i32
      %rem3A_125 = arith.constant 254 : i32
      %rem3A_126 = arith.constant 2 : i32
      %rem3A_127 = arith.remsi %rem3A_125, %rem3A_126 : i32
      %rem3A_128 = arith.constant 254 : i32
      %rem3A_129 = arith.constant 2 : i32
      %rem3A_130 = arith.remsi %rem3A_128, %rem3A_129 : i32
      %add3A_131 = arith.addi %mul3A_2, %div3A_124 : i32
      %mul3A_132 = arith.constant 200 : i32
      %mul3A_133 = arith.muli %add3A_131, %mul3A_132 : i32
      %mul3A_134 = arith.constant 96 : i32
      %mul3A_135 = arith.muli %rem3A_127, %mul3A_134 : i32
      %add3A_136 = arith.addi %mul3A_133, %mul3A_135 : i32
      %dma_wait3A = arith.constant 0 : i32
      %dma_wait3A_137 = arith.constant 0 : i32
      %dma_wait3A_138 = tpu.memref_slice %arg12[%rem3A_130, %dma_wait3A, %dma_wait3A_137] : memref<2x104x64xf32, #tpu.memory_space<vmem>> -> memref<1x104x64xf32, #tpu.memory_space<vmem>>
      %dma_wait3A_139 = tpu.memref_squeeze %dma_wait3A_138 : memref<1x104x64xf32, #tpu.memory_space<vmem>> -> memref<104x64xf32, #tpu.memory_space<vmem>>
      %dma_wait3A_140 = arith.constant 0 : i32
      %dma_wait3A_141 = tpu.memref_slice %arg7[%add3A_136, %dma_wait3A_140] : memref<819200x64xf32, #tpu.memory_space<hbm>> -> memref<104x64xf32, #tpu.memory_space<hbm>>
      %dma_wait3A_142 = arith.constant 0 : i32
      %dma_wait3A_143 = tpu.memref_slice %arg7[%add3A_136, %dma_wait3A_142] : memref<819200x64xf32, #tpu.memory_space<hbm>> -> memref<104x64xf32, #tpu.memory_space<hbm>>
      %dma_wait3A_144 = arith.constant 0 : i32
      %dma_wait3A_145 = arith.constant 0 : i32
      %dma_wait3A_146 = tpu.memref_slice %arg12[%rem3A_130, %dma_wait3A_144, %dma_wait3A_145] : memref<2x104x64xf32, #tpu.memory_space<vmem>> -> memref<1x104x64xf32, #tpu.memory_space<vmem>>
      %dma_wait3A_147 = tpu.memref_squeeze %dma_wait3A_146 : memref<1x104x64xf32, #tpu.memory_space<vmem>> -> memref<104x64xf32, #tpu.memory_space<vmem>>
      tpu.wait_dma2 semaphore(%arg19 : memref<!tpu.dma_semaphore, #tpu.memory_space<semaphore_mem>>) src(%dma_wait3A_147 : memref<104x64xf32, #tpu.memory_space<vmem>>) dst(%dma_wait3A_143 : memref<104x64xf32, #tpu.memory_space<hbm>>)
      %dma_wait3A_148 = arith.constant 0 : i32
      %dma_wait3A_149 = arith.constant 0 : i32
      %dma_wait3A_150 = tpu.memref_slice %arg13[%rem3A_130, %dma_wait3A_148, %dma_wait3A_149] : memref<2x104x64xf32, #tpu.memory_space<vmem>> -> memref<1x104x64xf32, #tpu.memory_space<vmem>>
      %dma_wait3A_151 = tpu.memref_squeeze %dma_wait3A_150 : memref<1x104x64xf32, #tpu.memory_space<vmem>> -> memref<104x64xf32, #tpu.memory_space<vmem>>
      %dma_wait3A_152 = arith.constant 0 : i32
      %dma_wait3A_153 = tpu.memref_slice %arg6[%add3A_136, %dma_wait3A_152] : memref<819200x64xf32, #tpu.memory_space<hbm>> -> memref<104x64xf32, #tpu.memory_space<hbm>>
      %dma_wait3A_154 = arith.constant 0 : i32
      %dma_wait3A_155 = tpu.memref_slice %arg6[%add3A_136, %dma_wait3A_154] : memref<819200x64xf32, #tpu.memory_space<hbm>> -> memref<104x64xf32, #tpu.memory_space<hbm>>
      %dma_wait3A_156 = arith.constant 0 : i32
      %dma_wait3A_157 = arith.constant 0 : i32
      %dma_wait3A_158 = tpu.memref_slice %arg13[%rem3A_130, %dma_wait3A_156, %dma_wait3A_157] : memref<2x104x64xf32, #tpu.memory_space<vmem>> -> memref<1x104x64xf32, #tpu.memory_space<vmem>>
      %dma_wait3A_159 = tpu.memref_squeeze %dma_wait3A_158 : memref<1x104x64xf32, #tpu.memory_space<vmem>> -> memref<104x64xf32, #tpu.memory_space<vmem>>
      tpu.wait_dma2 semaphore(%arg20 : memref<!tpu.dma_semaphore, #tpu.memory_space<semaphore_mem>>) src(%dma_wait3A_159 : memref<104x64xf32, #tpu.memory_space<vmem>>) dst(%dma_wait3A_155 : memref<104x64xf32, #tpu.memory_space<hbm>>)
    } else {
    }
    %rem3A_107 = arith.constant 255 : i32
    %rem3A_108 = arith.constant 2 : i32
    %rem3A_109 = arith.remsi %rem3A_107, %rem3A_108 : i32
    %eq3A_110 = arith.constant 0 : i32
    %eq3A_111 = arith.cmpi eq, %rem3A_109, %eq3A_110 : i32
    %convert_element_type3A_112 = arith.extui %eq3A_111 : i1 to i32
    %cond3A_113 = arith.constant 0 : i32
    %cond3A_114 = arith.cmpi ne, %convert_element_type3A_112, %cond3A_113 : i32
    scf.if %cond3A_114 {
      %div3A = arith.constant 255 : i32
      %div3A_123 = arith.constant 2 : i32
      %div3A_124 = arith.divsi %div3A, %div3A_123 : i32
      %rem3A_125 = arith.constant 255 : i32
      %rem3A_126 = arith.constant 2 : i32
      %rem3A_127 = arith.remsi %rem3A_125, %rem3A_126 : i32
      %rem3A_128 = arith.constant 255 : i32
      %rem3A_129 = arith.constant 2 : i32
      %rem3A_130 = arith.remsi %rem3A_128, %rem3A_129 : i32
      %add3A_131 = arith.addi %mul3A_2, %div3A_124 : i32
      %mul3A_132 = arith.constant 200 : i32
      %mul3A_133 = arith.muli %add3A_131, %mul3A_132 : i32
      %mul3A_134 = arith.constant 96 : i32
      %mul3A_135 = arith.muli %rem3A_127, %mul3A_134 : i32
      %add3A_136 = arith.addi %mul3A_133, %mul3A_135 : i32
      %dma_wait3A = arith.constant 0 : i32
      %dma_wait3A_137 = arith.constant 0 : i32
      %dma_wait3A_138 = tpu.memref_slice %arg12[%rem3A_130, %dma_wait3A, %dma_wait3A_137] : memref<2x104x64xf32, #tpu.memory_space<vmem>> -> memref<1x96x64xf32, #tpu.memory_space<vmem>>
      %dma_wait3A_139 = tpu.memref_squeeze %dma_wait3A_138 : memref<1x96x64xf32, #tpu.memory_space<vmem>> -> memref<96x64xf32, #tpu.memory_space<vmem>>
      %dma_wait3A_140 = arith.constant 0 : i32
      %dma_wait3A_141 = tpu.memref_slice %arg7[%add3A_136, %dma_wait3A_140] : memref<819200x64xf32, #tpu.memory_space<hbm>> -> memref<96x64xf32, #tpu.memory_space<hbm>>
      %dma_wait3A_142 = arith.constant 0 : i32
      %dma_wait3A_143 = tpu.memref_slice %arg7[%add3A_136, %dma_wait3A_142] : memref<819200x64xf32, #tpu.memory_space<hbm>> -> memref<96x64xf32, #tpu.memory_space<hbm>>
      %dma_wait3A_144 = arith.constant 0 : i32
      %dma_wait3A_145 = arith.constant 0 : i32
      %dma_wait3A_146 = tpu.memref_slice %arg12[%rem3A_130, %dma_wait3A_144, %dma_wait3A_145] : memref<2x104x64xf32, #tpu.memory_space<vmem>> -> memref<1x96x64xf32, #tpu.memory_space<vmem>>
      %dma_wait3A_147 = tpu.memref_squeeze %dma_wait3A_146 : memref<1x96x64xf32, #tpu.memory_space<vmem>> -> memref<96x64xf32, #tpu.memory_space<vmem>>
      tpu.wait_dma2 semaphore(%arg19 : memref<!tpu.dma_semaphore, #tpu.memory_space<semaphore_mem>>) src(%dma_wait3A_147 : memref<96x64xf32, #tpu.memory_space<vmem>>) dst(%dma_wait3A_143 : memref<96x64xf32, #tpu.memory_space<hbm>>)
      %dma_wait3A_148 = arith.constant 0 : i32
      %dma_wait3A_149 = arith.constant 0 : i32
      %dma_wait3A_150 = tpu.memref_slice %arg13[%rem3A_130, %dma_wait3A_148, %dma_wait3A_149] : memref<2x104x64xf32, #tpu.memory_space<vmem>> -> memref<1x96x64xf32, #tpu.memory_space<vmem>>
      %dma_wait3A_151 = tpu.memref_squeeze %dma_wait3A_150 : memref<1x96x64xf32, #tpu.memory_space<vmem>> -> memref<96x64xf32, #tpu.memory_space<vmem>>
      %dma_wait3A_152 = arith.constant 0 : i32
      %dma_wait3A_153 = tpu.memref_slice %arg6[%add3A_136, %dma_wait3A_152] : memref<819200x64xf32, #tpu.memory_space<hbm>> -> memref<96x64xf32, #tpu.memory_space<hbm>>
      %dma_wait3A_154 = arith.constant 0 : i32
      %dma_wait3A_155 = tpu.memref_slice %arg6[%add3A_136, %dma_wait3A_154] : memref<819200x64xf32, #tpu.memory_space<hbm>> -> memref<96x64xf32, #tpu.memory_space<hbm>>
      %dma_wait3A_156 = arith.constant 0 : i32
      %dma_wait3A_157 = arith.constant 0 : i32
      %dma_wait3A_158 = tpu.memref_slice %arg13[%rem3A_130, %dma_wait3A_156, %dma_wait3A_157] : memref<2x104x64xf32, #tpu.memory_space<vmem>> -> memref<1x96x64xf32, #tpu.memory_space<vmem>>
      %dma_wait3A_159 = tpu.memref_squeeze %dma_wait3A_158 : memref<1x96x64xf32, #tpu.memory_space<vmem>> -> memref<96x64xf32, #tpu.memory_space<vmem>>
      tpu.wait_dma2 semaphore(%arg20 : memref<!tpu.dma_semaphore, #tpu.memory_space<semaphore_mem>>) src(%dma_wait3A_159 : memref<96x64xf32, #tpu.memory_space<vmem>>) dst(%dma_wait3A_155 : memref<96x64xf32, #tpu.memory_space<hbm>>)
    } else {
    }
    %rem3A_115 = arith.constant 255 : i32
    %rem3A_116 = arith.constant 2 : i32
    %rem3A_117 = arith.remsi %rem3A_115, %rem3A_116 : i32
    %eq3A_118 = arith.constant 1 : i32
    %eq3A_119 = arith.cmpi eq, %rem3A_117, %eq3A_118 : i32
    %convert_element_type3A_120 = arith.extui %eq3A_119 : i1 to i32
    %cond3A_121 = arith.constant 0 : i32
    %cond3A_122 = arith.cmpi ne, %convert_element_type3A_120, %cond3A_121 : i32
    scf.if %cond3A_122 {
      %div3A = arith.constant 255 : i32
      %div3A_123 = arith.constant 2 : i32
      %div3A_124 = arith.divsi %div3A, %div3A_123 : i32
      %rem3A_125 = arith.constant 255 : i32
      %rem3A_126 = arith.constant 2 : i32
      %rem3A_127 = arith.remsi %rem3A_125, %rem3A_126 : i32
      %rem3A_128 = arith.constant 255 : i32
      %rem3A_129 = arith.constant 2 : i32
      %rem3A_130 = arith.remsi %rem3A_128, %rem3A_129 : i32
      %add3A_131 = arith.addi %mul3A_2, %div3A_124 : i32
      %mul3A_132 = arith.constant 200 : i32
      %mul3A_133 = arith.muli %add3A_131, %mul3A_132 : i32
      %mul3A_134 = arith.constant 96 : i32
      %mul3A_135 = arith.muli %rem3A_127, %mul3A_134 : i32
      %add3A_136 = arith.addi %mul3A_133, %mul3A_135 : i32
      %dma_wait3A = arith.constant 0 : i32
      %dma_wait3A_137 = arith.constant 0 : i32
      %dma_wait3A_138 = tpu.memref_slice %arg12[%rem3A_130, %dma_wait3A, %dma_wait3A_137] : memref<2x104x64xf32, #tpu.memory_space<vmem>> -> memref<1x104x64xf32, #tpu.memory_space<vmem>>
      %dma_wait3A_139 = tpu.memref_squeeze %dma_wait3A_138 : memref<1x104x64xf32, #tpu.memory_space<vmem>> -> memref<104x64xf32, #tpu.memory_space<vmem>>
      %dma_wait3A_140 = arith.constant 0 : i32
      %dma_wait3A_141 = tpu.memref_slice %arg7[%add3A_136, %dma_wait3A_140] : memref<819200x64xf32, #tpu.memory_space<hbm>> -> memref<104x64xf32, #tpu.memory_space<hbm>>
      %dma_wait3A_142 = arith.constant 0 : i32
      %dma_wait3A_143 = tpu.memref_slice %arg7[%add3A_136, %dma_wait3A_142] : memref<819200x64xf32, #tpu.memory_space<hbm>> -> memref<104x64xf32, #tpu.memory_space<hbm>>
      %dma_wait3A_144 = arith.constant 0 : i32
      %dma_wait3A_145 = arith.constant 0 : i32
      %dma_wait3A_146 = tpu.memref_slice %arg12[%rem3A_130, %dma_wait3A_144, %dma_wait3A_145] : memref<2x104x64xf32, #tpu.memory_space<vmem>> -> memref<1x104x64xf32, #tpu.memory_space<vmem>>
      %dma_wait3A_147 = tpu.memref_squeeze %dma_wait3A_146 : memref<1x104x64xf32, #tpu.memory_space<vmem>> -> memref<104x64xf32, #tpu.memory_space<vmem>>
      tpu.wait_dma2 semaphore(%arg19 : memref<!tpu.dma_semaphore, #tpu.memory_space<semaphore_mem>>) src(%dma_wait3A_147 : memref<104x64xf32, #tpu.memory_space<vmem>>) dst(%dma_wait3A_143 : memref<104x64xf32, #tpu.memory_space<hbm>>)
      %dma_wait3A_148 = arith.constant 0 : i32
      %dma_wait3A_149 = arith.constant 0 : i32
      %dma_wait3A_150 = tpu.memref_slice %arg13[%rem3A_130, %dma_wait3A_148, %dma_wait3A_149] : memref<2x104x64xf32, #tpu.memory_space<vmem>> -> memref<1x104x64xf32, #tpu.memory_space<vmem>>
      %dma_wait3A_151 = tpu.memref_squeeze %dma_wait3A_150 : memref<1x104x64xf32, #tpu.memory_space<vmem>> -> memref<104x64xf32, #tpu.memory_space<vmem>>
      %dma_wait3A_152 = arith.constant 0 : i32
      %dma_wait3A_153 = tpu.memref_slice %arg6[%add3A_136, %dma_wait3A_152] : memref<819200x64xf32, #tpu.memory_space<hbm>> -> memref<104x64xf32, #tpu.memory_space<hbm>>
      %dma_wait3A_154 = arith.constant 0 : i32
      %dma_wait3A_155 = tpu.memref_slice %arg6[%add3A_136, %dma_wait3A_154] : memref<819200x64xf32, #tpu.memory_space<hbm>> -> memref<104x64xf32, #tpu.memory_space<hbm>>
      %dma_wait3A_156 = arith.constant 0 : i32
      %dma_wait3A_157 = arith.constant 0 : i32
      %dma_wait3A_158 = tpu.memref_slice %arg13[%rem3A_130, %dma_wait3A_156, %dma_wait3A_157] : memref<2x104x64xf32, #tpu.memory_space<vmem>> -> memref<1x104x64xf32, #tpu.memory_space<vmem>>
      %dma_wait3A_159 = tpu.memref_squeeze %dma_wait3A_158 : memref<1x104x64xf32, #tpu.memory_space<vmem>> -> memref<104x64xf32, #tpu.memory_space<vmem>>
      tpu.wait_dma2 semaphore(%arg20 : memref<!tpu.dma_semaphore, #tpu.memory_space<semaphore_mem>>) src(%dma_wait3A_159 : memref<104x64xf32, #tpu.memory_space<vmem>>) dst(%dma_wait3A_155 : memref<104x64xf32, #tpu.memory_space<hbm>>)
    } else {
    }
    return
  }
}

</mosaic_0001>

<sc_bundles>
// kernel: _gather_both.3.cloned.1.call-start
scs
__scs_entry_jumppad:
0x0: {  	(pc) =	sbr.rel $0x88, $3  }
0x1: {  	(tag) =	ssettag $0x0;
	lr =	simm.s32 $0x1  }
0x2: {  	[smem:$0x3F9D] =	sst lr;
	_ =	strace $0xD0000000  }
0x3: {  	_ = 	snop  }
0x4: {  	_ = 	snop  }
0x5: {  	_ = 	snop  }
0x6: {  	_ = 	snop  }
0x7: {  	_ = 	snop  }
__scs_overlays_trampoline_lowered:
0x8: {  	[smem:$0x3FAC] =	sst s0  }
0x9: {  	[smem:$0x3FAD] =	sst s1  }
0xa: {  	[smem:$0x3FAE] =	sst s2  }
0xb: {  	[smem:$0x3FAF] =	sst s3  }
0xc: {  	[smem:$0x3FB0] =	sst s4  }
0xd: {  	[smem:$0x3FB1] =	sst s5  }
0xe: {  	[smem:$0x3FB2] =	sst s6  }
0xf: {  	[smem:$0x3FB3] =	sst s7  }
0x10: {  	[smem:$0x3FB4] =	sst s8  }
0x11: {  	[smem:$0x3FB5] =	sst s9;
	s0 =	simm.s32 @!p0 $0x0  }
0x12: {  	s1 =	sld [smem:$0x3F9B];
	s0 =	simm.s32 @p0 $0x1  }
0x13: {  	[smem:$0x3FB6] =	sst s0;
	s0 =	simm.s32 @!p1 $0x0  }
0x14: {  	s2 =	sld [smem:$0x3F9A];
	s0 =	simm.s32 @p1 $0x1  }
0x15: {  	[smem:$0x3FB7] =	sst s0;
	s0 =	simm.s32 @!p2 $0x0  }
0x16: {  	s3 =	sld [smem:$0x3FDB];
	s0 =	simm.s32 @p2 $0x1  }
0x17: {  	s4 =	simm.s32 $0x1BF5;
	[smem:$0x3FB9] =	sst s0  }
0x18: {  	s0 =	sld [smem:$0x3F9C];
	_ =	swait.ge [sflag:s4], $0x0  }
0x19: {  	s7 =	sld [smem:$0x3F9D]  }
0x1a: {  	s8 =	sadd.s32 $0xFFFFE003, lr  }
0x1b: {  	s9 =	sadd.s32 $0xFFFFFEF7, lr;
	s5 =	simm.s32 $0xFFFFFFFF;
	p2 =	slt.u32 s8, $0xFFFFF086  }
0x1c: {  	p1 =	slt.u32 s9, $0xF7A;
	s5 =	simm.s32 @!p2 $0x0  }
0x1d: {  	s5 =	simm.s32 @p1 $0x1;
	p0 =	seq.s32 s7, s2  }
0x1e: {  	s7 =	smul.u32 @!p0 $0xF7A, s2;
	p2 =	seq.s32 @!p0 s5, $0x0  }
0x1f: {  	s9 =	smul.u32 $0xF7A, s1;
	s8 =	simm.s32 @!p0 $0x1BF5;
	p2 =	por !p2, p0  }
0x20: {  	[sflag:s8] =	ssyncset.s32 @!p0 $0xFFFFF086;
	s6 =	sadd.s32 @!p0 s3, s7;
	s7 =	simm.s32 @!p0 $0x108  }
0x21: {  	s3 =	sadd.s32 s3, s9;
	s6 =	sadd.s32 @!p0 $0x88, s6;
	s7 =	simm.s32 @p2 $0x1082  }
0x22: {  	[simem:s7], [sflag:s8] =	dma.local @!p0 [hbm:s6], $0xF7A  }
0x23: {  	s9 =	sor.u32 $0xD0000000, s2;
	s6 =	simm.s32 $0x108;
	_ =	swait.ge @!p0 [sflag:s8], $0x0  }
0x24: {  	s3 =	sadd.s32 $0x88, s3;
	s6 =	simm.s32 @!p1 $0x1082;
	[sflag:s4] =	ssyncset.s32 $0xFFFFF086  }
0x25: {  	[simem:s6], [sflag:s4] =	dma.local [hbm:s3], $0xF7A  }
0x26: {  	[smem:$0x3F9D] =	sst s1;
	(tag) =	ssettag s2;
	_ =	strace s9  }
0x27: {  	s1 =	sld [smem:$0x3FAD]  }
0x28: {  	s2 =	sld [smem:$0x3FAE]  }
0x29: {  	s4 =	sld [smem:$0x3FB0]  }
0x2a: {  	p0 =	seq.s32 s5, $0x0;
	s5 =	sld [smem:$0x3FB1]  }
0x2b: {  	s6 =	sld [smem:$0x3FB2]  }
0x2c: {  	s7 =	sld [smem:$0x3FB3]  }
0x2d: {  	s3 =	simm.s32 $0x108;
	s8 =	sld [smem:$0x3FB4]  }
0x2e: {  	s3 =	simm.s32 @!p0 $0x1082;
	s9 =	sld [smem:$0x3FB5]  }
0x2f: {  	lr =	sadd.s32 s0, s3;
	s0 =	sld [smem:$0x3FAC]  }
0x30: {  	s3 =	sld [smem:$0x3FAF]  }
0x31: {  	[smem:$0x3FB8] =	sst s10  }
0x32: {  	s10 =	sld [smem:$0x3FB6];
	_ =	sdelay $0x3  }
0x33: {  	p0 =	seq.s32 s10, $0x1;
	s10 =	sld [smem:$0x3FB8];
	_ =	sdelay $0x3  }
0x34: {  	[smem:$0x3FB8] =	sst s10  }
0x35: {  	s10 =	sld [smem:$0x3FB7];
	_ =	sdelay $0x3  }
0x36: {  	p1 =	seq.s32 s10, $0x1;
	s10 =	sld [smem:$0x3FB8];
	_ =	sdelay $0x3  }
0x37: {  	[smem:$0x3FB8] =	sst s10  }
0x38: {  	s10 =	sld [smem:$0x3FB9]  }
0x39: {  	_ = 	snop;
	(pc) =	sbr.ind lr, $3  }
0x3a: {  	_ = 	snop  }
0x3b: {  	_ = 	snop  }
0x3c: {  	p2 =	seq.s32 s10, $0x1;
	s10 =	sld [smem:$0x3FB8]  }
0x3d: {  	_ =	shalt  }
0x3e: {  	_ =	shalt  }
0x3f: {  	_ =	shalt  }
0x40: {  	_ =	shalt  }
0x41: {  	_ =	shalt  }
0x42: {  	_ =	shalt  }
0x43: {  	_ =	shalt  }
0x44: {  	_ =	shalt  }
0x45: {  	_ =	shalt  }
0x46: {  	_ =	shalt  }
0x47: {  	_ =	shalt  }
0x48: {  	_ =	shalt  }
0x49: {  	_ =	shalt  }
0x4a: {  	_ =	shalt  }
0x4b: {  	_ =	shalt  }
0x4c: {  	_ =	shalt  }
0x4d: {  	_ =	shalt  }
0x4e: {  	_ =	shalt  }
0x4f: {  	_ =	shalt  }
0x50: {  	_ =	shalt  }
0x51: {  	_ =	shalt  }
0x52: {  	_ =	shalt  }
0x53: {  	_ =	shalt  }
0x54: {  	_ =	shalt  }
0x55: {  	_ =	shalt  }
0x56: {  	_ =	shalt  }
0x57: {  	_ =	shalt  }
0x58: {  	_ =	shalt  }
0x59: {  	_ =	shalt  }
0x5a: {  	_ =	shalt  }
0x5b: {  	_ =	shalt  }
0x5c: {  	_ =	shalt  }
0x5d: {  	_ =	shalt  }
0x5e: {  	_ =	shalt  }
0x5f: {  	_ =	shalt  }
0x60: {  	_ =	shalt  }
0x61: {  	_ =	shalt  }
0x62: {  	_ =	shalt  }
0x63: {  	_ =	shalt  }
0x64: {  	_ =	shalt  }
0x65: {  	_ =	shalt  }
0x66: {  	_ =	shalt  }
0x67: {  	_ =	shalt  }
0x68: {  	_ =	shalt  }
0x69: {  	_ =	shalt  }
0x6a: {  	_ =	shalt  }
0x6b: {  	_ =	shalt  }
0x6c: {  	_ =	shalt  }
0x6d: {  	_ =	shalt  }
0x6e: {  	_ =	shalt  }
0x6f: {  	_ =	shalt  }
0x70: {  	_ =	shalt  }
0x71: {  	_ =	shalt  }
0x72: {  	_ =	shalt  }
0x73: {  	_ =	shalt  }
0x74: {  	_ =	shalt  }
0x75: {  	_ =	shalt  }
0x76: {  	_ =	shalt  }
0x77: {  	_ =	shalt  }
0x78: {  	_ =	shalt  }
0x79: {  	_ =	shalt  }
0x7a: {  	_ =	shalt  }
0x7b: {  	_ =	shalt  }
0x7c: {  	_ =	shalt  }
0x7d: {  	_ =	shalt  }
0x7e: {  	_ =	shalt  }
0x7f: {  	_ =	shalt  }
0x80: {  	_ =	shalt  }
0x81: {  	_ =	shalt  }
0x82: {  	_ =	shalt  }
0x83: {  	_ =	shalt  }
0x84: {  	_ =	shalt  }
0x85: {  	_ =	shalt  }
0x86: {  	_ =	shalt  }
0x87: {  	_ =	shalt  }
.Lfunc_end0:
.L_simem_size_0:
called_computation_lowered:
.L_overlay_start_0:
0x88: {  	s2 =	sld [smem:$0x3FD9]  }
0x89: {  	s3 =	sld [smem:$0x3FFE];
	_ =	sdelay $0x1  }
0x8a: {  	s1 =	srdreg.scid  }
0x8b: {  	s0 =	sand.u32 $0x1, s1  }
0x8c: {  	s17 =	sshll.u32 s0, $0xA;
	s2 =	sadd.s32 s3, s2  }
0x8d: {  	s2 =	sadd.s32 s2, s17  }
0x8e: {  	[smem:$0x3FC4] =	sst s2  }
0x8f: {  	_ = 	snop  }
0x90: {  	s2 =	sld [smem:$0x3FC9]  }
0x91: {  	s18 =	sld [smem:$0x3FC8]  }
0x92: {  	s4 =	sld [smem:$0x3FC7]  }
0x93: {  	s5 =	sld [smem:$0x3FC6];
	(tm) =	ssettm $0x1  }
0x94: {  	s6 =	sld [smem:$0x3FFB];
	_ =	sdelay $0x3  }
0x95: {  	_ =	strace s6  }
0x96: {  	s6 =	sld [smem:$0x3FFC];
	_ =	sdelay $0x3  }
0x97: {  	_ =	strace s6  }
0x98: {  	s6 =	sld [smem:$0x3FFD];
	_ =	sdelay $0x3  }
0x99: {  	_ =	strace s6  }
0x9a: {  	_ =	strace $0x8FFFFFFF  }
0x9b: {  	s19 =	sld [smem:$0x3FDB];
	_ =	sdelay $0x1  }
0x9c: {  	s7 =	simm.s32 $_scs_section_size  }
0x9d: {  	s8 =	simm.s32 $_size__tile_overlayer_lowered;
	s9 =	simm.s32 $_tile_overlayer_lowered  }
0x9e: {  	s22 =	simm.s32 $0x1BFF;
	s21 =	sshll.u32 s9, $0x1;
	s6 =	sadd.s32 s7, s19  }
0x9f: {  	s10 =	simm.s32 $0x0;
	s20 =	sshll.u32 s8, $0x1;
	s8 =	sadd.s32 s21, s6  }
0xa0: {  	[timem:s10], [sflag:s22] =	dma.local [hbm:s8], s20  }
0xa1: {  	_ =	swait.ge [sflag:s22], s20  }
0xa2: {  	s7 =	ssub.s32 $0x0, s20;
	[sflag:s22] =	ssyncset.done $0x0  }
0xa3: {  	[sflag:s22] =	ssyncadd.s32 s7;
	_ =	sdelay $0x1  }
0xa4: {  	s23 =	simm.s32 $0x1B8B  }
0xa5: {  	_ =	swait.ge [sflag:s23], $0x1  }
0xa6: {  	[sflag:s23] =	ssyncset.done $0x0  }
0xa7: {  	s25 =	simm.s32 $0x1B8E;
	s24 =	sld [smem:$0x3FFE];
	[sflag:s23] =	ssyncadd.s32 $0xFFFFFFFF  }
0xa8: {  	s26 =	simm.s32 $execute0_lowered;
	[smem:$0x3FD2] =	sst s25  }
0xa9: {  	s8 =	sshll.u32 s26, $0x1;
	_ =	strace $0x80000046;
	[dreg:$0x1] =	wrdreg $0xFFFFFFFF  }
0xaa: {  	s28 =	simm.s32 $_size_execute0_lowered;
	s6 =	sadd.s32 s6, s8;
	[dreg:$0x0] =	wrdreg $0x0  }
0xab: {  	s8 =	sshll.u32 s28, $0x1;
	[dreg:$0x2] =	wrdreg s6  }
0xac: {  	[dreg:$0x3] =	wrdreg s8  }
0xad: {  	[dreg:$0x4] =	wrdreg $0xC0  }
0xae: {  	_ =	task [dreg:s10], $0x5FFFF  }
0xaf: {  	[dreg:$0x1] =	wrdreg $0xFFFFFFFF  }
0xb0: {  	[dreg:$0x0] =	wrdreg $0x60  }
0xb1: {  	[dreg:$0x2] =	wrdreg s2  }
0xb2: {  	[dreg:$0x3] =	wrdreg s18  }
0xb3: {  	[dreg:$0x4] =	wrdreg s4  }
0xb4: {  	[dreg:$0x5] =	wrdreg s5  }
0xb5: {  	[dreg:$0x6] =	wrdreg s24  }
0xb6: {  	[dreg:$0x7] =	wrdreg $0x1A8000  }
0xb7: {  	[dreg:$0x8] =	wrdreg $0x9  }
0xb8: {  	_ =	task.clear_ibuf [dreg:s10], $0x9FFFF;
	_ =	strace $0x90000046  }
0xb9: {  	s29 =	simm.s32 $0x9;
	_ =	strace $0x80000048  }
0xba: {  	_ =	swait.ge [sflag:s29], $0x1  }
0xbb: {  	[sflag:s29] =	ssyncadd.s32 $0xFFFFFFFF  }
0xbc: {  	_ =	strace $0x90000048  }
0xbd: {  	_ =	sfence  }
0xbe: {  	s30 =	sld [smem:$0x0];
	_ =	sdelay $0x2  }
0xbf: {  	s31 =	sshll.u32 s1, $0xD;
	s1 =	sshrl.u32 s1, $0x2  }
0xc0: {  	s3 =	sand.u32 $0x4000, s31;
	s1 =	sadd.s32 s1, s30  }
0xc1: {  	s0 =	sor.u32 s3, s0;
	s1 =	sshll.u32 s1, $0x11  }
0xc2: {  	s0 =	sor.u32 s1, s0  }
0xc3: {  	s0 =	sadd.s32 $0x8F2B, s0  }
0xc4: {  	[sflag:s0] =	ssyncadd.remote.s32 $0x1  }
0xc5: {  	_ =	sfence.sel $0xFFFF  }
0xc6: {  	[dreg:$0x0] =	wrdreg $0xFFFFFFFF;
	(pc) =	sbr.abs _section_cstart, $3  }
0xc7: {  	[dreg:$0x1] =	wrdreg $0xFFFFFFFF  }
0xc8: {  	_ =	task.clear_ibuf [dreg:s10], $0x2FFFF;
	_ =	strace $0x9FFFFFFF  }
0xc9: {  	(tm) =	ssettm $0x7FFFFFFF  }
tec
execute0_lowered:
.L_overlay_start_1:
0x0: {  	(tag) =	ssettag $0x1  }
0x1: {  	s0 =	rddreg [dreg:$0x0]  }
0x2: {  	s1 =	rddreg [dreg:$0x1]  }
0x3: {  	s3 =	rddreg [dreg:$0x2]  }
0x4: {  	s2 =	rddreg [dreg:$0x4]  }
0x5: {  	s5 =	rddreg [dreg:$0x5]  }
0x6: {  	s4 =	srdreg.scid;
	s6 =	simm.s32 $0x0;
	s10 =	stileid.u32  }
0x7: {  	s28 =	simm.s32 $0x17400;
	s29 =	simm.s32 $0x5;
	s30 =	simm.s32 $0x6  }
0x8: {  	s31 =	simm.s32 $0xD800;
	s18 =	simm.s32 $0x3C00;
	s19 =	simm.s32 $0xA400  }
0x9: {  	s4 =	sand.u32 $0x1, s4;
	[smem:$0x7FF] =	sst s6;
	s8 =	sadd.s32 $0xC80800, s2  }
0xa: {  	p0 =	sne.s32 s10, $0x0;
	s7 =	sshll.u32 s4, $0x4;
	_ =	strace $0x80000047  }
0xb: {  	s4 =	ssub.s32 $0x2, s4;
	s17 =	sshrl.u32 @!p0 s5, $0x3;
	s9 =	sor.u32 s10, s7  }
0xc: {  	s7 =	sadd.s32 $0x800, s2;
	s12 =	sshrl.u32 s4, $0x1;
	s11 =	smul.u32 $0xC80, s9  }
0xd: {  	s2 =	simm.s32 $0x14000;
	s13 =	smul.u32 $0x320000, s9;
	s20 =	ssub.s32 s4, s12  }
0xe: {  	s9 =	sshll.u32 s9, $0x7;
	s16 =	smax.u32 s20, $0x1;
	s21 =	sadd.s32 s0, s11  }
0xf: {  	s22 =	sor.u32 $0x19, s11;
	s11 =	sadd.s32 s1, s11;
	[dreg:$0x7] =	wrdreg s21  }
0x10: {  	s20 =	simm.s32 $0x0;
	s23 =	sshrl.u32 s13, $0x3;
	[dreg:$0x8] =	wrdreg s11  }
0x11: {  	s24 =	sadd.s32 s0, s22;
	s25 =	sadd.s32 $0x63980, s23;
	s4 =	sadd.s32 s1, s22  }
0x12: {  	s21 =	simm.s32 $0x60;
	s22 =	simm.s32 $0x800;
	[dreg:$0x9] =	wrdreg s24  }
0x13: {  	s23 =	simm.s32 $0x7000;
	[dreg:$0xa] =	wrdreg s4;
	s26 =	sadd.s32 s8, s25  }
0x14: {  	s15 =	sadd.s32 s7, s25;
	s24 =	simm.s32 $0x3;
	s25 =	simm.s32 $0x4  }
0x15: {  	s4 =	simm.s32 $0x68;
	[dreg:$0xb] =	wrdreg s26;
	s26 =	simm.s32 $0x10C00  }
.LBB2_1:
0x16: {  	s10 =	simm.s32 @!p0 $0x1C07;
	s11 =	rddreg [dreg:$0x3]  }
0x17: {  	[spmem:s17], [sflag:s10] =	dma.local @!p0 [hbm:s11], $0x3E80  }
0x18: {  	s10 =	simm.s32 @!p0 $0x7  }
0x19: {  	_ =	swait.ge @!p0 [sflag:s10], $0x3E80  }
0x1a: {  	[sflag:s10] =	ssyncset.done @!p0 $0x0  }
0x1b: {  	[sflag:s10] =	ssyncadd.s32 @!p0 $0xFFFFC180  }
0x1c: {  	[bflag:$0x0] =	sbarrier.arrive $0xFFFF  }
0x1d: {  	s12 =	rddreg [dreg:$0x7]  }
0x1e: {  	[tilespmem:s6], [sflag:$0x1] =	stream.linear.gather [hbm4b:s12+s6], $0xC8, $0x38;
	[tilespmem:$0x1C740] =	vst v63  }
0x1f: {  	s14 =	simm.s32 $0x400;
	s13 =	rddreg [dreg:$0x8]  }
0x20: {  	[tilespmem:s14], [sflag:$0x2] =	stream.linear.gather [hbm4b:s13+s6], $0xC8, $0x38;
	[tilespmem:$0x1C740] =	vst v63  }
.Ltmp0:
0x21: {  	_ = 	snop;
	(pc) =	sbr.rel .LBB2_2-.Ltmp0, $4  }
0x22: {  	s11 =	rddreg [dreg:$0x9];
	s12 =	simm.s32 $0x100  }
0x23: {  	[tilespmem:s12], [sflag:$0x1] =	stream.linear.gather [hbm4b:s11+s6], $0xC8, $0x38;
	[tilespmem:$0x1C740] =	vst v63  }
0x24: {  	s10 =	simm.s32 $0x0;
	s13 =	rddreg [dreg:$0xa];
	s14 =	simm.s32 $0x500  }
0x25: {  	[tilespmem:s14], [sflag:$0x2] =	stream.linear.gather [hbm4b:s13+s6], $0xC8, $0x38;
	[tilespmem:$0x1C740] =	vst v63  }
.LBB2_11:
0x26: {  	v5 =	vld [tilespmem:s13+$0xA430];
	[tilespmem:s12+$0x10C10] =	vst v2  }
0x27: {  	v2 =	vld [tilespmem:s13+$0x3C00];
	[tilespmem:s12+$0x17410] =	vst v0  }
0x28: {  	v0 =	vld [tilespmem:s13+$0xA400];
	[tilespmem:s12+$0x10C20] =	vst v1  }
0x29: {  	v1 =	vld [tilespmem:s13+$0x3C10];
	[tilespmem:s12+$0x17420] =	vst v3  }
0x2a: {  	v3 =	vld [tilespmem:s13+$0xA410];
	[tilespmem:s12+$0x10C30] =	vst v4  }
0x2b: {  	v4 =	vld [tilespmem:s13+$0x3C20];
	[tilespmem:s13+$0x17430] =	vst v5  }
0x2c: {  	s11 =	sshrl.u32 s11, $0x1;
	v62 =	vld [tilespmem:s13+$0xA420];
	[tilespmem:s13+$0x10C00] =	vst v2  }
0x2d: {  	s11 =	sadd.s32 s9, s11;
	v63 =	vld [tilespmem:s13+$0x3C30];
	[tilespmem:s13+$0x17400] =	vst v0  }
0x2e: {  	s11 =	smul.u32 $0x6400, s11;
	[tilespmem:s13+$0x10C10] =	vst v1  }
0x2f: {  	[tilespmem:s13+$0x17410] =	vst v3  }
0x30: {  	s11 =	sshrl.u32 s11, $0x3;
	[tilespmem:s13+$0x10C20] =	vst v4  }
0x31: {  	s11 =	sadd.s32 $0x600, s11;
	[tilespmem:s13+$0x17420] =	vst v62  }
0x32: {  	s14 =	sadd.s32 s8, s11;
	[tilespmem:s13+$0x10C30] =	vst v63  }
0x33: {  	[hbm4b:s14+s6] =	stream.linear.scatter [tilespmem:s26], [sflag:$0x5], $0x3400, $0x38;
	[tilespmem:$0x1C740] =	vst v63  }
0x34: {  	s11 =	sadd.s32 s7, s11  }
0x35: {  	[hbm4b:s11+s6] =	stream.linear.scatter [tilespmem:s28], [sflag:$0x6], $0x3400, $0x38;
	[tilespmem:$0x1C740] =	vst v63  }
.LBB2_12:
0x36: {  	s10 =	sadd.s32 $0x1, s10  }
0x37: {  	p1 =	sne.s32 s10, $0x100  }
.Ltmp1:
0x38: {  	_ = 	snop;
	(pc) =	sbr.rel @!p1 .LBB2_13-.Ltmp1, $1  }
0x39: {  	_ =	sdelay $0x3  }
.LBB2_2:
0x3a: {  	s12 =	sand.u32 $0x1, s10  }
0x3b: {  	p2 =	seq.s32 s12, $0x1  }
0x3c: {  	s11 =	simm.s32 @!p2 $0x1  }
0x3d: {  	_ =	swait.ge @!p2 [sflag:s11], $0xC8  }
0x3e: {  	p1 =	slt.u32 s10, $0x2;
	[sflag:s11] =	ssyncset.done @!p2 $0x0  }
0x3f: {  	s13 =	sand.u32 @!p1 $0x1, s10;
	[sflag:s11] =	ssyncadd.s32 @!p2 $0xFFFFFF38;
	s11 =	simm.s32 @!p2 $0x2  }
0x40: {  	p3 =	seq.s32 @!p1 s13, $0x1;
	_ =	swait.ge @!p2 [sflag:s11], $0xC8  }
0x41: {  	p4 =	por !p3, p1;
	[sflag:s11] =	ssyncset.done @!p2 $0x0  }
0x42: {  	[sflag:s11] =	ssyncadd.s32 @!p2 $0xFFFFFF38;
	s11 =	simm.s32 @!p4 $0x5  }
0x43: {  	_ =	swait.ge @!p4 [sflag:s11], $0x3400  }
0x44: {  	[sflag:s11] =	ssyncset.done @!p4 $0x0  }
0x45: {  	[sflag:s11] =	ssyncadd.s32 @!p4 $0xFFFFCC00;
	s11 =	simm.s32 @!p4 $0x6  }
0x46: {  	_ =	swait.ge @!p4 [sflag:s11], $0x3400  }
0x47: {  	p1 =	por p3, p1;
	[sflag:s11] =	ssyncset.done @!p4 $0x0  }
0x48: {  	[sflag:s11] =	ssyncadd.s32 @!p4 $0xFFFFCC00;
	s11 =	simm.s32 @!p1 $0x5  }
0x49: {  	p2 =	seq.s32 s12, $0x0;
	_ =	swait.ge @!p1 [sflag:s11], $0x3000  }
.Ltmp2:
0x4a: {  	[sflag:s11] =	ssyncset.done @!p1 $0x0;
	(pc) =	sbr.rel @!p2 .LBB2_3-.Ltmp2, $4  }
0x4b: {  	s13 =	simm.s32 @!p1 $0x6;
	[sflag:s11] =	ssyncadd.s32 @!p1 $0xFFFFD000  }
0x4c: {  	s11 =	sshrl.u32 s10, $0x1;
	_ =	swait.ge @!p1 [sflag:s13], $0x3000  }
0x4d: {  	s14 =	sshll.u32 s11, $0x8;
	[sflag:s13] =	ssyncset.done @!p1 $0x0  }
0x4e: {  	s12 =	sand.u32 $0x300, s14;
	[sflag:s13] =	ssyncadd.s32 @!p1 $0xFFFFD000  }
0x4f: {  	[tilespmem:s22], [sflag:$0x3] =	stream.indirect.gather [hbm4b:s3+s21], $0x80, s12, s21, $0xb8;
	[tilespmem:$0x1C740] =	vst v63  }
0x50: {  	p1 =	sgt.u32 s10, $0xFB  }
0x51: {  	s14 =	sor.u32 $0x400, s12;
	s11 =	sadd.s32 @!p1 $0x2, s11  }
0x52: {  	[tilespmem:s23], [sflag:$0x4] =	stream.indirect.gather [spmem:s5], $0x80, s14, s21, $0xb8;
	[tilespmem:$0x1C740] =	vst v63  }
0x53: {  	s12 =	sadd.s32 @!p1 s9, s11  }
0x54: {  	s12 =	smul.u32 @!p1 $0x19, s12  }
0x55: {  	s11 =	sshll.u32 @!p1 s11, $0x8  }
0x56: {  	s14 =	simm.s32 @!p1 $0x0;
	s11 =	sand.u32 @!p1 $0x300, s11;
	s13 =	sadd.s32 @!p1 s0, s12  }
0x57: {  	[tilespmem:s11], [sflag:$0x1] =	stream.linear.gather @!p1 [hbm4b:s13+s14], $0xC8, $0x38;
	[tilespmem:$0x1C740] =	vst v63  }
0x58: {  	p2 =	seq.s32 @!p1 s10, $0x0;
	s12 =	sadd.s32 @!p1 s1, s12;
	s11 =	sor.u32 @!p1 $0x400, s11  }
0x59: {  	[tilespmem:s11], [sflag:$0x2] =	stream.linear.gather @!p1 [hbm4b:s12+s14], $0xC8, $0x38;
	[tilespmem:$0x1C740] =	vst v63  }
0x5a: {  	p1 =	por p1, !p2  }
.Ltmp3:
0x5b: {  	_ = 	snop;
	(pc) =	sbr.rel @p1 .LBB2_5-.Ltmp3, $4  }
.Ltmp4:
0x5c: {  	_ = 	snop;
	(pc) =	sbr.rel @!p1 .LBB2_12-.Ltmp4, $4  }
0x5d: {  	_ = 	snop  }
0x5e: {  	_ = 	snop  }
0x5f: {  	_ = 	snop  }
0x60: {  	_ = 	snop  }
.LBB2_3:
0x61: {  	s11 =	sor.u32 $0x60, s12  }
0x62: {  	[tilespmem:s18], [sflag:$0x3] =	stream.indirect.gather [hbm4b:s3+s4], $0x80, s11, s4, $0xb8;
	[tilespmem:$0x1C740] =	vst v63  }
0x63: {  	s14 =	sor.u32 $0x460, s12  }
0x64: {  	[tilespmem:s19], [sflag:$0x4] =	stream.indirect.gather [spmem:s5], $0x80, s14, s4, $0xb8;
	[tilespmem:$0x1C740] =	vst v63  }
.LBB2_5:
0x65: {  	s11 =	sadd.s32 $0xFFFFFFFF, s10  }
0x66: {  	s12 =	sand.u32 $0x1, s11  }
0x67: {  	p1 =	seq.s32 s12, $0x1  }
.Ltmp5:
0x68: {  	_ = 	snop;
	(pc) =	sbr.rel @p1 .LBB2_9-.Ltmp5, $1  }
0x69: {  	_ =	sdelay $0x3  }
0x6a: {  	_ =	swait.ge [sflag:s24], $0x3000  }
0x6b: {  	[sflag:s24] =	ssyncset.done $0x0  }
0x6c: {  	[sflag:s24] =	ssyncadd.s32 $0xFFFFD000  }
0x6d: {  	_ =	swait.ge [sflag:s25], $0x3000  }
0x6e: {  	[sflag:s25] =	ssyncset.done $0x0  }
0x6f: {  	s12 =	simm.s32 $0x0;
	[sflag:s25] =	ssyncadd.s32 $0xFFFFD000  }
0x70: {  	v3 =	vld [tilespmem:s12+$0x7030]  }
0x71: {  	v4 =	vld [tilespmem:s12+$0x800]  }
0x72: {  	v5 =	vld [tilespmem:s12+$0x7000]  }
0x73: {  	v2 =	vld [tilespmem:s12+$0x810]  }
0x74: {  	v0 =	vld [tilespmem:s12+$0x7010]  }
0x75: {  	v1 =	vld [tilespmem:s12+$0x820];
	[tilespmem:s12+$0x14030] =	vst v3  }
0x76: {  	[tilespmem:s12+$0xD800] =	vst v4;
	v3 =	vld [tilespmem:s12+$0x7020]  }
0x77: {  	s13 =	simm.s32 $0x80;
	s14 =	simm.s32 $0x400;
	[tilespmem:s12+$0x14000] =	vst v5;
	v4 =	vld [tilespmem:s12+$0x830]  }
.LBB2_7:
0x78: {  	p1 =	seq.s32 s14, $0xBE00;
	v5 =	vld [tilespmem:s13+$0x7030];
	[tilespmem:s12+$0xD810] =	vst v2  }
0x79: {  	v6 =	vld [tilespmem:s13+$0x800];
	[tilespmem:s12+$0x14010] =	vst v0  }
0x7a: {  	v7 =	vld [tilespmem:s13+$0x7000];
	[tilespmem:s12+$0xD820] =	vst v1  }
.Ltmp6:
0x7b: {  	v2 =	vld [tilespmem:s13+$0x810];
	[tilespmem:s12+$0x14020] =	vst v3;
	(pc) =	sbr.rel @!p1 .LBB2_7-.Ltmp6, $4  }
0x7c: {  	v0 =	vld [tilespmem:s13+$0x7010];
	[tilespmem:s12+$0xD830] =	vst v4;
	s12 =	smov.u32 s13  }
0x7d: {  	v1 =	vld [tilespmem:s12+$0x820];
	[tilespmem:s12+$0x14030] =	vst v5  }
0x7e: {  	[tilespmem:s12+$0xD800] =	vst v6;
	v3 =	vld [tilespmem:s12+$0x7020]  }
0x7f: {  	s13 =	sshra.s32 s14, $0x2;
	s14 =	sadd.s32 $0x200, s14;
	[tilespmem:s12+$0x14000] =	vst v7;
	v4 =	vld [tilespmem:s12+$0x830]  }
0x80: {  	v5 =	vld [tilespmem:s13+$0x7030];
	[tilespmem:s12+$0xD810] =	vst v2  }
0x81: {  	v2 =	vld [tilespmem:s13+$0x800];
	[tilespmem:s12+$0x14010] =	vst v0  }
0x82: {  	v0 =	vld [tilespmem:s13+$0x7000];
	[tilespmem:s12+$0xD820] =	vst v1  }
0x83: {  	v1 =	vld [tilespmem:s13+$0x810];
	[tilespmem:s12+$0x14020] =	vst v3  }
0x84: {  	v3 =	vld [tilespmem:s13+$0x7010];
	[tilespmem:s12+$0xD830] =	vst v4  }
0x85: {  	v4 =	vld [tilespmem:s13+$0x820];
	[tilespmem:s13+$0x14030] =	vst v5  }
0x86: {  	v62 =	vld [tilespmem:s13+$0x7020];
	[tilespmem:s13+$0xD800] =	vst v2  }
0x87: {  	v63 =	vld [tilespmem:s13+$0x830];
	[tilespmem:s13+$0x14000] =	vst v0  }
0x88: {  	s11 =	sshrl.u32 s11, $0x1;
	[tilespmem:s13+$0xD810] =	vst v1  }
0x89: {  	s11 =	sadd.s32 s9, s11;
	[tilespmem:s13+$0x14010] =	vst v3  }
0x8a: {  	s11 =	smul.u32 $0xC80, s11;
	[tilespmem:s13+$0xD820] =	vst v4  }
.Ltmp7:
0x8b: {  	[tilespmem:s13+$0x14020] =	vst v62;
	(pc) =	sbr.rel .LBB2_12-.Ltmp7, $4  }
0x8c: {  	s14 =	sadd.s32 s8, s11;
	[tilespmem:s13+$0xD830] =	vst v63  }
0x8d: {  	[hbm4b:s14+s6] =	stream.linear.scatter [tilespmem:s31], [sflag:$0x5], $0x3000, $0x38;
	[tilespmem:$0x1C740] =	vst v63  }
0x8e: {  	s11 =	sadd.s32 s7, s11  }
0x8f: {  	[hbm4b:s11+s6] =	stream.linear.scatter [tilespmem:s2], [sflag:$0x6], $0x3000, $0x38;
	[tilespmem:$0x1C740] =	vst v63  }
.LBB2_9:
0x90: {  	_ =	swait.ge [sflag:s24], $0x3400  }
0x91: {  	[sflag:s24] =	ssyncset.done $0x0  }
0x92: {  	[sflag:s24] =	ssyncadd.s32 $0xFFFFCC00  }
0x93: {  	_ =	swait.ge [sflag:s25], $0x3400  }
0x94: {  	[sflag:s25] =	ssyncset.done $0x0  }
0x95: {  	s12 =	simm.s32 $0x0;
	[sflag:s25] =	ssyncadd.s32 $0xFFFFCC00  }
0x96: {  	v3 =	vld [tilespmem:s12+$0xA430]  }
0x97: {  	v4 =	vld [tilespmem:s12+$0x3C00]  }
0x98: {  	v5 =	vld [tilespmem:s12+$0xA400]  }
0x99: {  	v2 =	vld [tilespmem:s12+$0x3C10]  }
0x9a: {  	v0 =	vld [tilespmem:s12+$0xA410]  }
0x9b: {  	v1 =	vld [tilespmem:s12+$0x3C20];
	[tilespmem:s12+$0x17430] =	vst v3  }
0x9c: {  	[tilespmem:s12+$0x10C00] =	vst v4;
	v3 =	vld [tilespmem:s12+$0xA420]  }
0x9d: {  	s13 =	simm.s32 $0x80;
	s14 =	simm.s32 $0x400;
	[tilespmem:s12+$0x17400] =	vst v5;
	v4 =	vld [tilespmem:s12+$0x3C30]  }
.LBB2_10:
0x9e: {  	p1 =	seq.s32 s14, $0xCE00;
	v5 =	vld [tilespmem:s13+$0xA430];
	[tilespmem:s12+$0x10C10] =	vst v2  }
0x9f: {  	v6 =	vld [tilespmem:s13+$0x3C00];
	[tilespmem:s12+$0x17410] =	vst v0  }
0xa0: {  	v7 =	vld [tilespmem:s13+$0xA400];
	[tilespmem:s12+$0x10C20] =	vst v1  }
.Ltmp8:
0xa1: {  	v2 =	vld [tilespmem:s13+$0x3C10];
	[tilespmem:s12+$0x17420] =	vst v3;
	(pc) =	sbr.rel @!p1 .LBB2_10-.Ltmp8, $4  }
0xa2: {  	v0 =	vld [tilespmem:s13+$0xA410];
	[tilespmem:s12+$0x10C30] =	vst v4;
	s12 =	smov.u32 s13  }
0xa3: {  	v1 =	vld [tilespmem:s12+$0x3C20];
	[tilespmem:s12+$0x17430] =	vst v5  }
0xa4: {  	[tilespmem:s12+$0x10C00] =	vst v6;
	v3 =	vld [tilespmem:s12+$0xA420]  }
0xa5: {  	s13 =	sshra.s32 s14, $0x2;
	s14 =	sadd.s32 $0x200, s14;
	[tilespmem:s12+$0x17400] =	vst v7;
	v4 =	vld [tilespmem:s12+$0x3C30]  }
.Ltmp9:
0xa6: {  	_ = 	snop;
	(pc) =	sbr.rel .LBB2_11-.Ltmp9, $1  }
0xa7: {  	_ =	sdelay $0x3  }
.LBB2_13:
0xa8: {  	_ =	swait.ge [sflag:s24], $0x3400  }
0xa9: {  	[sflag:s24] =	ssyncset.done $0x0  }
0xaa: {  	[sflag:s24] =	ssyncadd.s32 $0xFFFFCC00  }
0xab: {  	_ =	swait.ge [sflag:s25], $0x3400  }
0xac: {  	[sflag:s25] =	ssyncset.done $0x0  }
0xad: {  	s10 =	simm.s32 $0x0;
	[sflag:s25] =	ssyncadd.s32 $0xFFFFCC00  }
0xae: {  	v3 =	vld [tilespmem:s10+$0xA430]  }
0xaf: {  	v4 =	vld [tilespmem:s10+$0x3C00]  }
0xb0: {  	v5 =	vld [tilespmem:s10+$0xA400]  }
0xb1: {  	v2 =	vld [tilespmem:s10+$0x3C10]  }
0xb2: {  	v0 =	vld [tilespmem:s10+$0xA410]  }
0xb3: {  	v1 =	vld [tilespmem:s10+$0x3C20];
	[tilespmem:s10+$0x17430] =	vst v3  }
0xb4: {  	[tilespmem:s10+$0x10C00] =	vst v4;
	v3 =	vld [tilespmem:s10+$0xA420]  }
0xb5: {  	s11 =	simm.s32 $0x80;
	s12 =	simm.s32 $0x400;
	[tilespmem:s10+$0x17400] =	vst v5;
	v4 =	vld [tilespmem:s10+$0x3C30]  }
.LBB2_14:
0xb6: {  	p1 =	sne.s32 s12, $0xCE00;
	v5 =	vld [tilespmem:s11+$0xA430];
	[tilespmem:s10+$0x10C10] =	vst v2  }
0xb7: {  	v6 =	vld [tilespmem:s11+$0x3C00];
	[tilespmem:s10+$0x17410] =	vst v0  }
0xb8: {  	v7 =	vld [tilespmem:s11+$0xA400];
	[tilespmem:s10+$0x10C20] =	vst v1  }
.Ltmp10:
0xb9: {  	v2 =	vld [tilespmem:s11+$0x3C10];
	[tilespmem:s10+$0x17420] =	vst v3;
	(pc) =	sbr.rel @p1 .LBB2_14-.Ltmp10, $4  }
0xba: {  	v0 =	vld [tilespmem:s11+$0xA410];
	[tilespmem:s10+$0x10C30] =	vst v4;
	s10 =	smov.u32 s11  }
0xbb: {  	v1 =	vld [tilespmem:s10+$0x3C20];
	[tilespmem:s10+$0x17430] =	vst v5  }
0xbc: {  	[tilespmem:s10+$0x10C00] =	vst v6;
	v3 =	vld [tilespmem:s10+$0xA420]  }
0xbd: {  	s11 =	sshra.s32 s12, $0x2;
	s12 =	sadd.s32 $0x200, s12;
	[tilespmem:s10+$0x17400] =	vst v7;
	v4 =	vld [tilespmem:s10+$0x3C30]  }
0xbe: {  	v5 =	vld [tilespmem:s11+$0xA430];
	[tilespmem:s10+$0x10C10] =	vst v2  }
0xbf: {  	v2 =	vld [tilespmem:s11+$0x3C00];
	[tilespmem:s10+$0x17410] =	vst v0  }
0xc0: {  	v0 =	vld [tilespmem:s11+$0xA400];
	[tilespmem:s10+$0x10C20] =	vst v1  }
0xc1: {  	v1 =	vld [tilespmem:s11+$0x3C10];
	[tilespmem:s10+$0x17420] =	vst v3  }
0xc2: {  	v3 =	vld [tilespmem:s11+$0xA410];
	[tilespmem:s10+$0x10C30] =	vst v4  }
0xc3: {  	v4 =	vld [tilespmem:s11+$0x3C20];
	[tilespmem:s11+$0x17430] =	vst v5  }
0xc4: {  	v62 =	vld [tilespmem:s11+$0xA420];
	[tilespmem:s11+$0x10C00] =	vst v2  }
0xc5: {  	v63 =	vld [tilespmem:s11+$0x3C30];
	[tilespmem:s11+$0x17400] =	vst v0  }
0xc6: {  	[tilespmem:s11+$0x10C10] =	vst v1  }
0xc7: {  	[tilespmem:s11+$0x17410] =	vst v3  }
0xc8: {  	[tilespmem:s11+$0x10C20] =	vst v4  }
0xc9: {  	[tilespmem:s11+$0x17420] =	vst v62  }
0xca: {  	s14 =	rddreg [dreg:$0xb];
	[tilespmem:s11+$0x10C30] =	vst v63  }
0xcb: {  	[hbm4b:s14+s6] =	stream.linear.scatter [tilespmem:s26], [sflag:$0x5], $0x3400, $0x38;
	[tilespmem:$0x1C740] =	vst v63  }
0xcc: {  	_ = 	snop  }
0xcd: {  	[hbm4b:s15+s6] =	stream.linear.scatter [tilespmem:s28], [sflag:$0x6], $0x3400, $0x38;
	[tilespmem:$0x1C740] =	vst v63  }
0xce: {  	_ =	swait.ge [sflag:s29], $0x3000  }
0xcf: {  	[sflag:s29] =	ssyncset.done $0x0  }
0xd0: {  	[sflag:s29] =	ssyncadd.s32 $0xFFFFD000  }
0xd1: {  	_ =	swait.ge [sflag:s30], $0x3000  }
0xd2: {  	[sflag:s30] =	ssyncset.done $0x0  }
0xd3: {  	s20 =	sadd.s32 $0x1, s20;
	[sflag:s30] =	ssyncadd.s32 $0xFFFFD000  }
0xd4: {  	p1 =	sne.s32 s20, s16;
	_ =	swait.ge [sflag:s29], $0x3400  }
.Ltmp11:
0xd5: {  	[sflag:s29] =	ssyncset.done $0x0;
	(pc) =	sbr.rel @p1 .LBB2_1-.Ltmp11, $4  }
0xd6: {  	[sflag:s29] =	ssyncadd.s32 $0xFFFFCC00  }
0xd7: {  	_ =	swait.ge [sflag:s30], $0x3400  }
0xd8: {  	[sflag:s30] =	ssyncset.done $0x0  }
0xd9: {  	[sflag:s30] =	ssyncadd.s32 $0xFFFFCC00  }
0xda: {  	_ =	sfence.sel $0x180000  }
0xdb: {  	[bflag:$0x0] =	sbarrier.arrive $0xFFFF  }
0xdc: {  	_ =	strace $0x90000047  }
0xdd: {  	[bflag:$0x2] =	sbarrier.arrive $0xFFFF  }
0xde: {  	s0 =	rddreg [dreg:$0x6]  }
0xdf: {  	s0 =	sadd.s32 @!p0 $0x100000, s0  }
0xe0: {  	[sflag:s0] =	ssyncadd.tile.s32 @!p0 $0x1;
	_ =	shalt  }
.Lfunc_end2:
_tile_overlayer_lowered:
.L_overlay_start_2:
0xe1: {  	(tag) =	ssettag $0x2  }
0xe2: {  	s0 =	rddreg [dreg:$0x0];
	s2 =	stileid.u32  }
0xe3: {  	s1 =	rddreg [dreg:$0x1];
	p0 =	sne.s32 s2, $0x0  }
0xe4: {  	s3 =	rddreg [dreg:$0x2];
	[bflag:$0x3] =	sbarrier.arrive $0xFFFF;
	s2 =	simm.s32 @!p0 $0x1C07  }
0xe5: {  	[timem:s3], [sflag:s2] =	dma.local @!p0 [hbm:s0], s1  }
0xe6: {  	s0 =	simm.s32 @!p0 $0x7  }
0xe7: {  	_ =	swait.ge @!p0 [sflag:s0], s1  }
0xe8: {  	s1 =	ssub.s32 @!p0 $0x0, s1;
	[sflag:s0] =	ssyncset.done @!p0 $0x0  }
0xe9: {  	[sflag:s0] =	ssyncadd.s32 @!p0 s1  }
0xea: {  	[bflag:$0x3] =	sbarrier.arrive $0xFFFF  }
0xeb: {  	_ =	shalt  }

</sc_bundles>
